<compile_context>
chip_gen: v7x
topology: tpu7x:2x2x1
jax: 0.10.2.dev20260603
libtpu: 0.0.44.dev20260713+nightly
codegen_flags: <defaults>
</compile_context>

<pallas_src>
import dataclasses
import functools

import jax
import jax.numpy as jnp
from jax import lax
from jax.experimental import pallas as pl
from jax.experimental.pallas import tpu as pltpu
from jax.experimental.pallas import tpu_sc as plsc

NUM_BINS = 1024
B = 4096
L = 4096

NC = 2
NS = 16
LANES = 16
NW = NC * NS
ROWS_PER_W = B // NW
RGROUPS = ROWS_PER_W // LANES
CHUNK = 512
NCHUNK = L // CHUNK
NSTEPS = RGROUPS * NCHUNK
CPAD = CHUNK + 1
NSLOTS = 2


def kernel(src, idx):
    mesh = plsc.VectorSubcoreMesh(core_axis_name="c", subcore_axis_name="s")
    cp = pltpu.CompilerParams()
    if "needs_layout_passes" in pltpu.CompilerParams.__dataclass_fields__:
        cp = dataclasses.replace(cp, needs_layout_passes=False)

    @functools.partial(
        pl.kernel,
        compiler_params=cp,
        out_type=jax.ShapeDtypeStruct((B, NUM_BINS), jnp.float32),
        mesh=mesh,
        scratch_types=(
            [pltpu.VMEM((LANES, CPAD), jnp.float32) for _ in range(NSLOTS)]
            + [pltpu.VMEM((LANES, CPAD), jnp.int32) for _ in range(NSLOTS)]
            + [pltpu.VMEM((CHUNK * LANES,), jnp.float32),
               pltpu.VMEM((CHUNK * LANES,), jnp.int32),
               pltpu.VMEM((LANES, NUM_BINS), jnp.float32)]
            + [pltpu.SemaphoreType.DMA for _ in range(NSLOTS)]
        ),
    )
    def run(src_hbm, idx_hbm, out_hbm, *scratch):
        sslots = scratch[0:NSLOTS]
        islots = scratch[NSLOTS:2 * NSLOTS]
        tsb, tib, acc = scratch[2 * NSLOTS:2 * NSLOTS + 3]
        sems = scratch[2 * NSLOTS + 3:]

        wid = lax.axis_index("s") * NC + lax.axis_index("c")
        lane = jnp.arange(LANES, dtype=jnp.int32)
        neg_inf = jnp.full((LANES,), -jnp.inf, dtype=jnp.float32)
        zero = jnp.zeros((LANES,), dtype=jnp.float32)

        def windows(k):
            g = lax.div(k, NCHUNK)
            ci = lax.rem(k, NCHUNK)
            r0 = wid * ROWS_PER_W + g * LANES
            c0 = ci * CHUNK
            rows = pl.ds(r0, LANES)
            cols = pl.ds(c0, CHUNK)
            return rows, cols, r0

        def issue(k, slot):
            rows, cols, _ = windows(k)
            pltpu.async_copy(src_hbm.at[rows, cols],
                             sslots[slot].at[:, pl.ds(0, CHUNK)], sems[slot])
            pltpu.async_copy(idx_hbm.at[rows, cols],
                             islots[slot].at[:, pl.ds(0, CHUNK)], sems[slot])

        def drain(k, slot):
            rows, cols, _ = windows(k)
            pltpu.make_async_copy(src_hbm.at[rows, cols],
                                  sslots[slot].at[:, pl.ds(0, CHUNK)],
                                  sems[slot]).wait()
            pltpu.make_async_copy(idx_hbm.at[rows, cols],
                                  islots[slot].at[:, pl.ds(0, CHUNK)],
                                  sems[slot]).wait()

        def process(k, slot):
            rows, cols, r0 = windows(k)
            ci = lax.rem(k, NCHUNK)

            @pl.when(ci == 0)
            def _():
                @plsc.parallel_loop(0, LANES * (NUM_BINS // LANES))
                def _(m):
                    l = lax.div(m, NUM_BINS // LANES)
                    b = lax.rem(m, NUM_BINS // LANES) * LANES
                    acc[l, pl.ds(b, LANES)] = neg_inf

            sblk = sslots[slot]
            iblk = islots[slot]

            @plsc.parallel_loop(0, CHUNK, unroll=8,
                                carry=(jnp.zeros((LANES,), jnp.int32),
                                       jnp.int32(0)))
            def _(j, c):
                jv, o = c
                tib[pl.ds(o, LANES)] = plsc.load_gather(iblk, [lane, jv])
                tsb[pl.ds(o, LANES)] = plsc.load_gather(sblk, [lane, jv])
                return jv + 1, o + LANES

            @pl.loop(0, CHUNK)
            def _(j):
                o = j * LANES
                ti = tib[pl.ds(o, LANES)]
                tv = tsb[pl.ds(o, LANES)]
                old = plsc.load_gather(acc, [lane, ti])
                plsc.store_scatter(acc, [lane, ti], jnp.maximum(old, tv))

            @pl.when(ci == NCHUNK - 1)
            def _():
                @plsc.parallel_loop(0, LANES * (NUM_BINS // LANES))
                def _(m):
                    l = lax.div(m, NUM_BINS // LANES)
                    b = lax.rem(m, NUM_BINS // LANES) * LANES
                    v = acc[l, pl.ds(b, LANES)]
                    acc[l, pl.ds(b, LANES)] = jnp.where(v == neg_inf, zero, v)

                pltpu.sync_copy(acc, out_hbm.at[pl.ds(r0, LANES), :])

        issue(0, 0)
        issue(1, 1)

        @pl.loop(0, NSTEPS, step=NSLOTS)
        def _(k):
            drain(k, 0)
            process(k, 0)

            @pl.when(k + 2 < NSTEPS)
            def _():
                issue(k + 2, 0)

            drain(k + 1, 1)
            process(k + 1, 1)

            @pl.when(k + 3 < NSTEPS)
            def _():
                issue(k + 3, 1)

    return run(src, idx)

# --- scband reference (transcript-rebuilt; emitter-appended) ---
"""Pipeline reference for scband-my-model-11879879543087 (READ-ONLY COPY).

The authoritative reference and input builder live on the scoring server;
editing this copy changes nothing except your own understanding.
"""

import jax, jax.numpy as jnp
import numpy as np

NUM_BINS = 1024
B = 4096
L = 4096


def setup_inputs(seed: int = 0) -> dict:
    key = jax.random.key(seed)
    k1, k2 = jax.random.split(key)
    src = jax.random.normal(k1, (B, L), dtype=jnp.float32)
    idx = jax.random.randint(k2, (B, L), 0, NUM_BINS, dtype=jnp.int32)
    return {"src": src, "idx": idx}


def reference(src, idx):
    # torch_scatter.scatter_max(src, idx) semantics along dim=-1:
    # out[b, j] = max over i of src[b, i] where idx[b, i] == j;
    # bins receiving no contribution are set to 0.
    b = src.shape[0]
    flat_idx = (idx.astype(jnp.int32) + jnp.arange(b, dtype=jnp.int32)[:, None] * NUM_BINS).ravel()
    init = jnp.full((b * NUM_BINS,), -jnp.inf, dtype=src.dtype)
    out = init.at[flat_idx].max(src.ravel())
    counts = jnp.zeros((b * NUM_BINS,), dtype=jnp.int32).at[flat_idx].add(1)
    out = jnp.where(counts > 0, out, jnp.zeros_like(out)).reshape(b, NUM_BINS)
    return out

if __name__ == "__main__":
    import jax
    _d = setup_inputs()
    print(jax.jit(kernel)(*tuple(_d.values())))

</pallas_src>

<mosaic_0001>
#map = affine_map<(d0, d1) -> (0, 0)>
module attributes {stable_mosaic.version = 14 : i64} {
  func.func @run(%arg0: i32, %arg1: i32, %arg2: memref<4096x4096xf32, #tpu.memory_space<hbm>>, %arg3: memref<4096x4096xi32, #tpu.memory_space<hbm>>, %arg4: memref<4096x1024xf32, #tpu.memory_space<hbm>>, %arg5: memref<16x513xf32, #tpu.memory_space<vmem>>, %arg6: memref<16x513xf32, #tpu.memory_space<vmem>>, %arg7: memref<16x513xi32, #tpu.memory_space<vmem>>, %arg8: memref<16x513xi32, #tpu.memory_space<vmem>>, %arg9: memref<8192xf32, #tpu.memory_space<vmem>>, %arg10: memref<8192xi32, #tpu.memory_space<vmem>>, %arg11: memref<16x1024xf32, #tpu.memory_space<vmem>>, %arg12: memref<!tpu.dma_semaphore, #tpu.memory_space<semaphore_mem>>, %arg13: memref<!tpu.dma_semaphore, #tpu.memory_space<semaphore_mem>>) attributes {dimension_semantics = [#tpu.dimension_semantics<core_parallel>, #tpu.dimension_semantics<subcore_parallel>], iteration_bounds = array<i64: 2, 16>, scalar_prefetch = 0 : i64, scratch_operands = 9 : i64, tpu.core_type = #tpu.core_type<sc_vector_subcore>, window_params = [{transform_indices = #map}, {transform_indices = #map}, {transform_indices = #map}]} {
    %mul3A = arith.constant 2 : i32
    %mul3A_0 = arith.muli %arg1, %mul3A : i32
    %add3A = arith.addi %mul3A_0, %arg0 : i32
    %iota3A = tpu.iota {dimensions = array<i32: 0>} : vector<16xi32>
    %broadcast_in_dim3A = arith.constant 0xFF800000 : f32
    %broadcast_in_dim3A_1 = vector.broadcast %broadcast_in_dim3A : f32 to vector<16xf32>
    %broadcast_in_dim3A_2 = arith.constant 0.000000e+00 : f32
    %broadcast_in_dim3A_3 = vector.broadcast %broadcast_in_dim3A_2 : f32 to vector<16xf32>
    %div3A = arith.constant 0 : i32
    %div3A_4 = arith.constant 8 : i32
    %div3A_5 = arith.divsi %div3A, %div3A_4 : i32
    %rem3A = arith.constant 0 : i32
    %rem3A_6 = arith.constant 8 : i32
    %rem3A_7 = arith.remsi %rem3A, %rem3A_6 : i32
    %mul3A_8 = arith.constant 128 : i32
    %mul3A_9 = arith.muli %add3A, %mul3A_8 : i32
    %mul3A_10 = arith.constant 16 : i32
    %mul3A_11 = arith.muli %div3A_5, %mul3A_10 : i32
    %add3A_12 = arith.addi %mul3A_9, %mul3A_11 : i32
    %mul3A_13 = arith.constant 512 : i32
    %mul3A_14 = arith.muli %rem3A_7, %mul3A_13 : i32
    %dma_start3A = arith.constant 0 : i32
    %dma_start3A_15 = arith.constant 0 : i32
    %dma_start3A_16 = tpu.memref_slice %arg5[%dma_start3A, %dma_start3A_15] : memref<16x513xf32, #tpu.memory_space<vmem>> -> memref<16x512xf32, #tpu.memory_space<vmem>>
    %dma_start3A_17 = tpu.memref_slice %arg2[%add3A_12, %mul3A_14] : memref<4096x4096xf32, #tpu.memory_space<hbm>> -> memref<16x512xf32, #tpu.memory_space<hbm>>
    %dma_start3A_18 = arith.constant 0 : i32
    %dma_start3A_19 = arith.constant 0 : i32
    %dma_start3A_20 = tpu.memref_slice %arg5[%dma_start3A_18, %dma_start3A_19] : memref<16x513xf32, #tpu.memory_space<vmem>> -> memref<16x512xf32, #tpu.memory_space<vmem>>
    %dma_start3A_21 = tpu.memref_slice %arg2[%add3A_12, %mul3A_14] : memref<4096x4096xf32, #tpu.memory_space<hbm>> -> memref<16x512xf32, #tpu.memory_space<hbm>>
    tpu.enqueue_dma source(%dma_start3A_21 : memref<16x512xf32, #tpu.memory_space<hbm>>) target(%dma_start3A_20 : memref<16x512xf32, #tpu.memory_space<vmem>>) target_semaphore(%arg12 : memref<!tpu.dma_semaphore, #tpu.memory_space<semaphore_mem>>)
    %dma_start3A_22 = arith.constant 0 : i32
    %dma_start3A_23 = arith.constant 0 : i32
    %dma_start3A_24 = tpu.memref_slice %arg7[%dma_start3A_22, %dma_start3A_23] : memref<16x513xi32, #tpu.memory_space<vmem>> -> memref<16x512xi32, #tpu.memory_space<vmem>>
    %dma_start3A_25 = tpu.memref_slice %arg3[%add3A_12, %mul3A_14] : memref<4096x4096xi32, #tpu.memory_space<hbm>> -> memref<16x512xi32, #tpu.memory_space<hbm>>
    %dma_start3A_26 = arith.constant 0 : i32
    %dma_start3A_27 = arith.constant 0 : i32
    %dma_start3A_28 = tpu.memref_slice %arg7[%dma_start3A_26, %dma_start3A_27] : memref<16x513xi32, #tpu.memory_space<vmem>> -> memref<16x512xi32, #tpu.memory_space<vmem>>
    %dma_start3A_29 = tpu.memref_slice %arg3[%add3A_12, %mul3A_14] : memref<4096x4096xi32, #tpu.memory_space<hbm>> -> memref<16x512xi32, #tpu.memory_space<hbm>>
    tpu.enqueue_dma source(%dma_start3A_29 : memref<16x512xi32, #tpu.memory_space<hbm>>) target(%dma_start3A_28 : memref<16x512xi32, #tpu.memory_space<vmem>>) target_semaphore(%arg12 : memref<!tpu.dma_semaphore, #tpu.memory_space<semaphore_mem>>)
    %div3A_30 = arith.constant 1 : i32
    %div3A_31 = arith.constant 8 : i32
    %div3A_32 = arith.divsi %div3A_30, %div3A_31 : i32
    %rem3A_33 = arith.constant 1 : i32
    %rem3A_34 = arith.constant 8 : i32
    %rem3A_35 = arith.remsi %rem3A_33, %rem3A_34 : i32
    %mul3A_36 = arith.constant 128 : i32
    %mul3A_37 = arith.muli %add3A, %mul3A_36 : i32
    %mul3A_38 = arith.constant 16 : i32
    %mul3A_39 = arith.muli %div3A_32, %mul3A_38 : i32
    %add3A_40 = arith.addi %mul3A_37, %mul3A_39 : i32
    %mul3A_41 = arith.constant 512 : i32
    %mul3A_42 = arith.muli %rem3A_35, %mul3A_41 : i32
    %dma_start3A_43 = arith.constant 0 : i32
    %dma_start3A_44 = arith.constant 0 : i32
    %dma_start3A_45 = tpu.memref_slice %arg6[%dma_start3A_43, %dma_start3A_44] : memref<16x513xf32, #tpu.memory_space<vmem>> -> memref<16x512xf32, #tpu.memory_space<vmem>>
    %dma_start3A_46 = tpu.memref_slice %arg2[%add3A_40, %mul3A_42] : memref<4096x4096xf32, #tpu.memory_space<hbm>> -> memref<16x512xf32, #tpu.memory_space<hbm>>
    %dma_start3A_47 = arith.constant 0 : i32
    %dma_start3A_48 = arith.constant 0 : i32
    %dma_start3A_49 = tpu.memref_slice %arg6[%dma_start3A_47, %dma_start3A_48] : memref<16x513xf32, #tpu.memory_space<vmem>> -> memref<16x512xf32, #tpu.memory_space<vmem>>
    %dma_start3A_50 = tpu.memref_slice %arg2[%add3A_40, %mul3A_42] : memref<4096x4096xf32, #tpu.memory_space<hbm>> -> memref<16x512xf32, #tpu.memory_space<hbm>>
    tpu.enqueue_dma source(%dma_start3A_50 : memref<16x512xf32, #tpu.memory_space<hbm>>) target(%dma_start3A_49 : memref<16x512xf32, #tpu.memory_space<vmem>>) target_semaphore(%arg13 : memref<!tpu.dma_semaphore, #tpu.memory_space<semaphore_mem>>)
    %dma_start3A_51 = arith.constant 0 : i32
    %dma_start3A_52 = arith.constant 0 : i32
    %dma_start3A_53 = tpu.memref_slice %arg8[%dma_start3A_51, %dma_start3A_52] : memref<16x513xi32, #tpu.memory_space<vmem>> -> memref<16x512xi32, #tpu.memory_space<vmem>>
    %dma_start3A_54 = tpu.memref_slice %arg3[%add3A_40, %mul3A_42] : memref<4096x4096xi32, #tpu.memory_space<hbm>> -> memref<16x512xi32, #tpu.memory_space<hbm>>
    %dma_start3A_55 = arith.constant 0 : i32
    %dma_start3A_56 = arith.constant 0 : i32
    %dma_start3A_57 = tpu.memref_slice %arg8[%dma_start3A_55, %dma_start3A_56] : memref<16x513xi32, #tpu.memory_space<vmem>> -> memref<16x512xi32, #tpu.memory_space<vmem>>
    %dma_start3A_58 = tpu.memref_slice %arg3[%add3A_40, %mul3A_42] : memref<4096x4096xi32, #tpu.memory_space<hbm>> -> memref<16x512xi32, #tpu.memory_space<hbm>>
    tpu.enqueue_dma source(%dma_start3A_58 : memref<16x512xi32, #tpu.memory_space<hbm>>) target(%dma_start3A_57 : memref<16x512xi32, #tpu.memory_space<vmem>>) target_semaphore(%arg13 : memref<!tpu.dma_semaphore, #tpu.memory_space<semaphore_mem>>)
    %scan3A = arith.constant 0 : i32
    %scan3A_59 = arith.constant 32 : i32
    %scan3A_60 = arith.addi %scan3A, %scan3A_59 : i32
    %scan3A_61 = arith.constant 1 : i32
    scf.for %scan3A_63 = %scan3A to %scan3A_60 step %scan3A_61  : i32 {
      %mul3A_64 = arith.constant 2 : i32
      %mul3A_65 = arith.muli %scan3A_63, %mul3A_64 : i32
      %add3A_66 = arith.constant 0 : i32
      %add3A_67 = arith.addi %add3A_66, %mul3A_65 : i32
      %div3A_68 = arith.constant 8 : i32
      %div3A_69 = arith.divsi %add3A_67, %div3A_68 : i32
      %rem3A_70 = arith.constant 8 : i32
      %rem3A_71 = arith.remsi %add3A_67, %rem3A_70 : i32
      %mul3A_72 = arith.constant 128 : i32
      %mul3A_73 = arith.muli %add3A, %mul3A_72 : i32
      %mul3A_74 = arith.constant 16 : i32
      %mul3A_75 = arith.muli %div3A_69, %mul3A_74 : i32
      %add3A_76 = arith.addi %mul3A_73, %mul3A_75 : i32
      %mul3A_77 = arith.constant 512 : i32
      %mul3A_78 = arith.muli %rem3A_71, %mul3A_77 : i32
      %dma_wait3A = arith.constant 0 : i32
      %dma_wait3A_79 = arith.constant 0 : i32
      %dma_wait3A_80 = tpu.memref_slice %arg5[%dma_wait3A, %dma_wait3A_79] : memref<16x513xf32, #tpu.memory_space<vmem>> -> memref<16x512xf32, #tpu.memory_space<vmem>>
      %dma_wait3A_81 = tpu.memref_slice %arg2[%add3A_76, %mul3A_78] : memref<4096x4096xf32, #tpu.memory_space<hbm>> -> memref<16x512xf32, #tpu.memory_space<hbm>>
      %dma_wait3A_82 = arith.constant 0 : i32
      %dma_wait3A_83 = arith.constant 0 : i32
      %dma_wait3A_84 = tpu.memref_slice %arg5[%dma_wait3A_82, %dma_wait3A_83] : memref<16x513xf32, #tpu.memory_space<vmem>> -> memref<16x512xf32, #tpu.memory_space<vmem>>
      %dma_wait3A_85 = tpu.memref_slice %arg2[%add3A_76, %mul3A_78] : memref<4096x4096xf32, #tpu.memory_space<hbm>> -> memref<16x512xf32, #tpu.memory_space<hbm>>
      tpu.wait_dma2 semaphore(%arg12 : memref<!tpu.dma_semaphore, #tpu.memory_space<semaphore_mem>>) src(%dma_wait3A_85 : memref<16x512xf32, #tpu.memory_space<hbm>>) dst(%dma_wait3A_84 : memref<16x512xf32, #tpu.memory_space<vmem>>)
      %dma_wait3A_86 = arith.constant 0 : i32
      %dma_wait3A_87 = arith.constant 0 : i32
      %dma_wait3A_88 = tpu.memref_slice %arg7[%dma_wait3A_86, %dma_wait3A_87] : memref<16x513xi32, #tpu.memory_space<vmem>> -> memref<16x512xi32, #tpu.memory_space<vmem>>
      %dma_wait3A_89 = tpu.memref_slice %arg3[%add3A_76, %mul3A_78] : memref<4096x4096xi32, #tpu.memory_space<hbm>> -> memref<16x512xi32, #tpu.memory_space<hbm>>
      %dma_wait3A_90 = arith.constant 0 : i32
      %dma_wait3A_91 = arith.constant 0 : i32
      %dma_wait3A_92 = tpu.memref_slice %arg7[%dma_wait3A_90, %dma_wait3A_91] : memref<16x513xi32, #tpu.memory_space<vmem>> -> memref<16x512xi32, #tpu.memory_space<vmem>>
      %dma_wait3A_93 = tpu.memref_slice %arg3[%add3A_76, %mul3A_78] : memref<4096x4096xi32, #tpu.memory_space<hbm>> -> memref<16x512xi32, #tpu.memory_space<hbm>>
      tpu.wait_dma2 semaphore(%arg12 : memref<!tpu.dma_semaphore, #tpu.memory_space<semaphore_mem>>) src(%dma_wait3A_93 : memref<16x512xi32, #tpu.memory_space<hbm>>) dst(%dma_wait3A_92 : memref<16x512xi32, #tpu.memory_space<vmem>>)
      %div3A_94 = arith.constant 8 : i32
      %div3A_95 = arith.divsi %add3A_67, %div3A_94 : i32
      %rem3A_96 = arith.constant 8 : i32
      %rem3A_97 = arith.remsi %add3A_67, %rem3A_96 : i32
      %mul3A_98 = arith.constant 128 : i32
      %mul3A_99 = arith.muli %add3A, %mul3A_98 : i32
      %mul3A_100 = arith.constant 16 : i32
      %mul3A_101 = arith.muli %div3A_95, %mul3A_100 : i32
      %add3A_102 = arith.addi %mul3A_99, %mul3A_101 : i32
      %mul3A_103 = arith.constant 512 : i32
      %mul3A_104 = arith.muli %rem3A_97, %mul3A_103 : i32
      %rem3A_105 = arith.constant 8 : i32
      %rem3A_106 = arith.remsi %add3A_67, %rem3A_105 : i32
      %eq3A = arith.constant 0 : i32
      %eq3A_107 = arith.cmpi eq, %rem3A_106, %eq3A : i32
      %convert_element_type3A = arith.extui %eq3A_107 : i1 to i32
      %cond3A = arith.constant 0 : i32
      %cond3A_108 = arith.cmpi ne, %convert_element_type3A, %cond3A : i32
      scf.if %cond3A_108 {
        %parallel_loop3A_204 = arith.constant 0 : i32
        %parallel_loop3A_205 = arith.constant 1024 : i32
        %parallel_loop3A_206 = arith.constant 1 : i32
        scf.for %parallel_loop3A_207 = %parallel_loop3A_204 to %parallel_loop3A_205 step %parallel_loop3A_206  : i32 {
          %parallel_loop3A_208 = arith.constant 64 : i32
          %parallel_loop3A_209 = arith.divsi %parallel_loop3A_207, %parallel_loop3A_208 : i32
          %parallel_loop3A_210 = arith.constant 64 : i32
          %parallel_loop3A_211 = arith.remsi %parallel_loop3A_207, %parallel_loop3A_210 : i32
          %parallel_loop3A_212 = arith.constant 16 : i32
          %parallel_loop3A_213 = arith.muli %parallel_loop3A_211, %parallel_loop3A_212 : i32
          %parallel_loop3A_214 = arith.index_cast %parallel_loop3A_209 : i32 to index
          %parallel_loop3A_215 = arith.index_cast %parallel_loop3A_213 : i32 to index
          %parallel_loop3A_216 = tpu.vector_load %arg11[%parallel_loop3A_214, %parallel_loop3A_215] {strides = array<i32>} : memref<16x1024xf32, #tpu.memory_space<vmem>>, vector<16xf32>,
          tpu.vector_store %arg11[%parallel_loop3A_214, %parallel_loop3A_215], %broadcast_in_dim3A_1 {strides = array<i32>} : memref<16x1024xf32, #tpu.memory_space<vmem>>, vector<16xf32>,
        } {sc.loop_unroll_factor = 1 : i64, sc.parallel_access}
      } else {
      }
      %broadcast_in_dim3A_109 = arith.constant 0 : i32
      %broadcast_in_dim3A_110 = vector.broadcast %broadcast_in_dim3A_109 : i32 to vector<16xi32>
      %parallel_loop3A = arith.constant 0 : i32
      %parallel_loop3A_111 = arith.constant 512 : i32
      %parallel_loop3A_112 = arith.constant 1 : i32
      %parallel_loop3A_113 = arith.constant 0 : i32
      %parallel_loop3A_114:2 = scf.for %parallel_loop3A_204 = %parallel_loop3A to %parallel_loop3A_111 step %parallel_loop3A_112 iter_args(%parallel_loop3A_205 = %broadcast_in_dim3A_110, %parallel_loop3A_206 = %parallel_loop3A_113) -> (vector<16xi32>, i32)  : i32 {
        %parallel_loop3A_207 = tpu.vector_load_idx %arg7[%iota3A, %parallel_loop3A_205] : memref<16x513xi32, #tpu.memory_space<vmem>>[vector<16xi32>, vector<16xi32>], vector<16xi32>,
        %parallel_loop3A_208 = arith.index_cast %parallel_loop3A_206 : i32 to index
        %parallel_loop3A_209 = tpu.vector_load %arg10[%parallel_loop3A_208] {strides = array<i32>} : memref<8192xi32, #tpu.memory_space<vmem>>, vector<16xi32>,
        tpu.vector_store %arg10[%parallel_loop3A_208], %parallel_loop3A_207 {strides = array<i32>} : memref<8192xi32, #tpu.memory_space<vmem>>, vector<16xi32>,
        %parallel_loop3A_210 = tpu.vector_load_idx %arg5[%iota3A, %parallel_loop3A_205] : memref<16x513xf32, #tpu.memory_space<vmem>>[vector<16xi32>, vector<16xi32>], vector<16xf32>,
        %parallel_loop3A_211 = arith.index_cast %parallel_loop3A_206 : i32 to index
        %parallel_loop3A_212 = tpu.vector_load %arg9[%parallel_loop3A_211] {strides = array<i32>} : memref<8192xf32, #tpu.memory_space<vmem>>, vector<16xf32>,
        tpu.vector_store %arg9[%parallel_loop3A_211], %parallel_loop3A_210 {strides = array<i32>} : memref<8192xf32, #tpu.memory_space<vmem>>, vector<16xf32>,
        %parallel_loop3A_213 = arith.constant 1 : i32
        %parallel_loop3A_214 = vector.broadcast %parallel_loop3A_213 : i32 to vector<16xi32>
        %parallel_loop3A_215 = arith.addi %parallel_loop3A_205, %parallel_loop3A_214 : vector<16xi32>
        %parallel_loop3A_216 = arith.constant 16 : i32
        %parallel_loop3A_217 = arith.addi %parallel_loop3A_206, %parallel_loop3A_216 : i32
        scf.yield %parallel_loop3A_215, %parallel_loop3A_217 : vector<16xi32>, i32
      } {sc.loop_unroll_factor = 8 : i64, sc.parallel_access}
      %scan3A_115 = arith.constant 0 : i32
      %scan3A_116 = arith.constant 512 : i32
      %scan3A_117 = arith.addi %scan3A_115, %scan3A_116 : i32
      %scan3A_118 = arith.constant 1 : i32
      scf.for %scan3A_204 = %scan3A_115 to %scan3A_117 step %scan3A_118  : i32 {
        %mul3A_205 = arith.constant 1 : i32
        %mul3A_206 = arith.muli %scan3A_204, %mul3A_205 : i32
        %add3A_207 = arith.constant 0 : i32
        %add3A_208 = arith.addi %add3A_207, %mul3A_206 : i32
        %mul3A_209 = arith.constant 16 : i32
        %mul3A_210 = arith.muli %add3A_208, %mul3A_209 : i32
        %get3A = arith.index_cast %mul3A_210 : i32 to index
        %get3A_211 = tpu.vector_load %arg10[%get3A] {strides = array<i32>} : memref<8192xi32, #tpu.memory_space<vmem>>, vector<16xi32>,
        %get3A_212 = arith.index_cast %mul3A_210 : i32 to index
        %get3A_213 = tpu.vector_load %arg9[%get3A_212] {strides = array<i32>} : memref<8192xf32, #tpu.memory_space<vmem>>, vector<16xf32>,
        %gather3A = tpu.vector_load_idx %arg11[%iota3A, %get3A_211] : memref<16x1024xf32, #tpu.memory_space<vmem>>[vector<16xi32>, vector<16xi32>], vector<16xf32>,
        %max3A = arith.maximumf %gather3A, %get3A_213 : vector<16xf32>
        tpu.vector_store_idx %arg11[%iota3A, %get3A_211], %max3A : memref<16x1024xf32, #tpu.memory_space<vmem>>[vector<16xi32>, vector<16xi32>], vector<16xf32>,
      }
      %scan3A_119 = arith.constant 512 : i32
      %eq3A_120 = arith.constant 7 : i32
      %eq3A_121 = arith.cmpi eq, %rem3A_106, %eq3A_120 : i32
      %convert_element_type3A_122 = arith.extui %eq3A_121 : i1 to i32
      %cond3A_123 = arith.constant 0 : i32
      %cond3A_124 = arith.cmpi ne, %convert_element_type3A_122, %cond3A_123 : i32
      scf.if %cond3A_124 {
        %parallel_loop3A_204 = arith.constant 0 : i32
        %parallel_loop3A_205 = arith.constant 1024 : i32
        %parallel_loop3A_206 = arith.constant 1 : i32
        scf.for %parallel_loop3A_207 = %parallel_loop3A_204 to %parallel_loop3A_205 step %parallel_loop3A_206  : i32 {
          %parallel_loop3A_208 = arith.constant 64 : i32
          %parallel_loop3A_209 = arith.divsi %parallel_loop3A_207, %parallel_loop3A_208 : i32
          %parallel_loop3A_210 = arith.constant 64 : i32
          %parallel_loop3A_211 = arith.remsi %parallel_loop3A_207, %parallel_loop3A_210 : i32
          %parallel_loop3A_212 = arith.constant 16 : i32
          %parallel_loop3A_213 = arith.muli %parallel_loop3A_211, %parallel_loop3A_212 : i32
          %parallel_loop3A_214 = arith.index_cast %parallel_loop3A_209 : i32 to index
          %parallel_loop3A_215 = arith.index_cast %parallel_loop3A_213 : i32 to index
          %parallel_loop3A_216 = tpu.vector_load %arg11[%parallel_loop3A_214, %parallel_loop3A_215] {strides = array<i32>} : memref<16x1024xf32, #tpu.memory_space<vmem>>, vector<16xf32>,
          %parallel_loop3A_217 = arith.cmpf oeq, %parallel_loop3A_216, %broadcast_in_dim3A_1 : vector<16xf32>
          %parallel_loop3A_218 = arith.select %parallel_loop3A_217, %broadcast_in_dim3A_3, %parallel_loop3A_216 : vector<16xi1>, vector<16xf32>
          %parallel_loop3A_219 = arith.index_cast %parallel_loop3A_209 : i32 to index
          %parallel_loop3A_220 = arith.index_cast %parallel_loop3A_213 : i32 to index
          %parallel_loop3A_221 = tpu.vector_load %arg11[%parallel_loop3A_219, %parallel_loop3A_220] {strides = array<i32>} : memref<16x1024xf32, #tpu.memory_space<vmem>>, vector<16xf32>,
          tpu.vector_store %arg11[%parallel_loop3A_219, %parallel_loop3A_220], %parallel_loop3A_218 {strides = array<i32>} : memref<16x1024xf32, #tpu.memory_space<vmem>>, vector<16xf32>,
        } {sc.loop_unroll_factor = 1 : i64, sc.parallel_access}
        "tpu.region"() ({
          %run_scoped3A = tpu.sem_alloc : memref<!tpu.dma_semaphore, #tpu.memory_space<semaphore_mem>>
          %dma_start3A_207 = arith.constant 0 : i32
          %dma_start3A_208 = tpu.memref_slice %arg4[%add3A_102, %dma_start3A_207] : memref<4096x1024xf32, #tpu.memory_space<hbm>> -> memref<16x1024xf32, #tpu.memory_space<hbm>>
          %dma_start3A_209 = arith.constant 0 : i32
          %dma_start3A_210 = tpu.memref_slice %arg4[%add3A_102, %dma_start3A_209] : memref<4096x1024xf32, #tpu.memory_space<hbm>> -> memref<16x1024xf32, #tpu.memory_space<hbm>>
          tpu.enqueue_dma source(%arg11 : memref<16x1024xf32, #tpu.memory_space<vmem>>) target(%dma_start3A_210 : memref<16x1024xf32, #tpu.memory_space<hbm>>) target_semaphore(%run_scoped3A : memref<!tpu.dma_semaphore, #tpu.memory_space<semaphore_mem>>)
          %dma_wait3A_211 = arith.constant 0 : i32
          %dma_wait3A_212 = tpu.memref_slice %arg4[%add3A_102, %dma_wait3A_211] : memref<4096x1024xf32, #tpu.memory_space<hbm>> -> memref<16x1024xf32, #tpu.memory_space<hbm>>
          %dma_wait3A_213 = arith.constant 0 : i32
          %dma_wait3A_214 = tpu.memref_slice %arg4[%add3A_102, %dma_wait3A_213] : memref<4096x1024xf32, #tpu.memory_space<hbm>> -> memref<16x1024xf32, #tpu.memory_space<hbm>>
          tpu.wait_dma2 semaphore(%run_scoped3A : memref<!tpu.dma_semaphore, #tpu.memory_space<semaphore_mem>>) src(%arg11 : memref<16x1024xf32, #tpu.memory_space<vmem>>) dst(%dma_wait3A_214 : memref<16x1024xf32, #tpu.memory_space<hbm>>)
          tpu.yield
        }) : () -> ()
      } else {
      }
      %add3A_125 = arith.constant 2 : i32
      %add3A_126 = arith.addi %add3A_67, %add3A_125 : i32
      %lt3A = arith.constant 64 : i32
      %lt3A_127 = arith.cmpi slt, %add3A_126, %lt3A : i32
      %convert_element_type3A_128 = arith.extui %lt3A_127 : i1 to i32
      %cond3A_129 = arith.constant 0 : i32
      %cond3A_130 = arith.cmpi ne, %convert_element_type3A_128, %cond3A_129 : i32
      scf.if %cond3A_130 {
        %add3A_204 = arith.constant 2 : i32
        %add3A_205 = arith.addi %add3A_67, %add3A_204 : i32
        %div3A_206 = arith.constant 8 : i32
        %div3A_207 = arith.divsi %add3A_205, %div3A_206 : i32
        %rem3A_208 = arith.constant 8 : i32
        %rem3A_209 = arith.remsi %add3A_205, %rem3A_208 : i32
        %mul3A_210 = arith.constant 128 : i32
        %mul3A_211 = arith.muli %add3A, %mul3A_210 : i32
        %mul3A_212 = arith.constant 16 : i32
        %mul3A_213 = arith.muli %div3A_207, %mul3A_212 : i32
        %add3A_214 = arith.addi %mul3A_211, %mul3A_213 : i32
        %mul3A_215 = arith.constant 512 : i32
        %mul3A_216 = arith.muli %rem3A_209, %mul3A_215 : i32
        %dma_start3A_217 = arith.constant 0 : i32
        %dma_start3A_218 = arith.constant 0 : i32
        %dma_start3A_219 = tpu.memref_slice %arg5[%dma_start3A_217, %dma_start3A_218] : memref<16x513xf32, #tpu.memory_space<vmem>> -> memref<16x512xf32, #tpu.memory_space<vmem>>
        %dma_start3A_220 = tpu.memref_slice %arg2[%add3A_214, %mul3A_216] : memref<4096x4096xf32, #tpu.memory_space<hbm>> -> memref<16x512xf32, #tpu.memory_space<hbm>>
        %dma_start3A_221 = arith.constant 0 : i32
        %dma_start3A_222 = arith.constant 0 : i32
        %dma_start3A_223 = tpu.memref_slice %arg5[%dma_start3A_221, %dma_start3A_222] : memref<16x513xf32, #tpu.memory_space<vmem>> -> memref<16x512xf32, #tpu.memory_space<vmem>>
        %dma_start3A_224 = tpu.memref_slice %arg2[%add3A_214, %mul3A_216] : memref<4096x4096xf32, #tpu.memory_space<hbm>> -> memref<16x512xf32, #tpu.memory_space<hbm>>
        tpu.enqueue_dma source(%dma_start3A_224 : memref<16x512xf32, #tpu.memory_space<hbm>>) target(%dma_start3A_223 : memref<16x512xf32, #tpu.memory_space<vmem>>) target_semaphore(%arg12 : memref<!tpu.dma_semaphore, #tpu.memory_space<semaphore_mem>>)
        %dma_start3A_225 = arith.constant 0 : i32
        %dma_start3A_226 = arith.constant 0 : i32
        %dma_start3A_227 = tpu.memref_slice %arg7[%dma_start3A_225, %dma_start3A_226] : memref<16x513xi32, #tpu.memory_space<vmem>> -> memref<16x512xi32, #tpu.memory_space<vmem>>
        %dma_start3A_228 = tpu.memref_slice %arg3[%add3A_214, %mul3A_216] : memref<4096x4096xi32, #tpu.memory_space<hbm>> -> memref<16x512xi32, #tpu.memory_space<hbm>>
        %dma_start3A_229 = arith.constant 0 : i32
        %dma_start3A_230 = arith.constant 0 : i32
        %dma_start3A_231 = tpu.memref_slice %arg7[%dma_start3A_229, %dma_start3A_230] : memref<16x513xi32, #tpu.memory_space<vmem>> -> memref<16x512xi32, #tpu.memory_space<vmem>>
        %dma_start3A_232 = tpu.memref_slice %arg3[%add3A_214, %mul3A_216] : memref<4096x4096xi32, #tpu.memory_space<hbm>> -> memref<16x512xi32, #tpu.memory_space<hbm>>
        tpu.enqueue_dma source(%dma_start3A_232 : memref<16x512xi32, #tpu.memory_space<hbm>>) target(%dma_start3A_231 : memref<16x512xi32, #tpu.memory_space<vmem>>) target_semaphore(%arg12 : memref<!tpu.dma_semaphore, #tpu.memory_space<semaphore_mem>>)
      } else {
      }
      %add3A_131 = arith.constant 1 : i32
      %add3A_132 = arith.addi %add3A_67, %add3A_131 : i32
      %div3A_133 = arith.constant 8 : i32
      %div3A_134 = arith.divsi %add3A_132, %div3A_133 : i32
      %rem3A_135 = arith.constant 8 : i32
      %rem3A_136 = arith.remsi %add3A_132, %rem3A_135 : i32
      %mul3A_137 = arith.constant 128 : i32
      %mul3A_138 = arith.muli %add3A, %mul3A_137 : i32
      %mul3A_139 = arith.constant 16 : i32
      %mul3A_140 = arith.muli %div3A_134, %mul3A_139 : i32
      %add3A_141 = arith.addi %mul3A_138, %mul3A_140 : i32
      %mul3A_142 = arith.constant 512 : i32
      %mul3A_143 = arith.muli %rem3A_136, %mul3A_142 : i32
      %dma_wait3A_144 = arith.constant 0 : i32
      %dma_wait3A_145 = arith.constant 0 : i32
      %dma_wait3A_146 = tpu.memref_slice %arg6[%dma_wait3A_144, %dma_wait3A_145] : memref<16x513xf32, #tpu.memory_space<vmem>> -> memref<16x512xf32, #tpu.memory_space<vmem>>
      %dma_wait3A_147 = tpu.memref_slice %arg2[%add3A_141, %mul3A_143] : memref<4096x4096xf32, #tpu.memory_space<hbm>> -> memref<16x512xf32, #tpu.memory_space<hbm>>
      %dma_wait3A_148 = arith.constant 0 : i32
      %dma_wait3A_149 = arith.constant 0 : i32
      %dma_wait3A_150 = tpu.memref_slice %arg6[%dma_wait3A_148, %dma_wait3A_149] : memref<16x513xf32, #tpu.memory_space<vmem>> -> memref<16x512xf32, #tpu.memory_space<vmem>>
      %dma_wait3A_151 = tpu.memref_slice %arg2[%add3A_141, %mul3A_143] : memref<4096x4096xf32, #tpu.memory_space<hbm>> -> memref<16x512xf32, #tpu.memory_space<hbm>>
      tpu.wait_dma2 semaphore(%arg13 : memref<!tpu.dma_semaphore, #tpu.memory_space<semaphore_mem>>) src(%dma_wait3A_151 : memref<16x512xf32, #tpu.memory_space<hbm>>) dst(%dma_wait3A_150 : memref<16x512xf32, #tpu.memory_space<vmem>>)
      %dma_wait3A_152 = arith.constant 0 : i32
      %dma_wait3A_153 = arith.constant 0 : i32
      %dma_wait3A_154 = tpu.memref_slice %arg8[%dma_wait3A_152, %dma_wait3A_153] : memref<16x513xi32, #tpu.memory_space<vmem>> -> memref<16x512xi32, #tpu.memory_space<vmem>>
      %dma_wait3A_155 = tpu.memref_slice %arg3[%add3A_141, %mul3A_143] : memref<4096x4096xi32, #tpu.memory_space<hbm>> -> memref<16x512xi32, #tpu.memory_space<hbm>>
      %dma_wait3A_156 = arith.constant 0 : i32
      %dma_wait3A_157 = arith.constant 0 : i32
      %dma_wait3A_158 = tpu.memref_slice %arg8[%dma_wait3A_156, %dma_wait3A_157] : memref<16x513xi32, #tpu.memory_space<vmem>> -> memref<16x512xi32, #tpu.memory_space<vmem>>
      %dma_wait3A_159 = tpu.memref_slice %arg3[%add3A_141, %mul3A_143] : memref<4096x4096xi32, #tpu.memory_space<hbm>> -> memref<16x512xi32, #tpu.memory_space<hbm>>
      tpu.wait_dma2 semaphore(%arg13 : memref<!tpu.dma_semaphore, #tpu.memory_space<semaphore_mem>>) src(%dma_wait3A_159 : memref<16x512xi32, #tpu.memory_space<hbm>>) dst(%dma_wait3A_158 : memref<16x512xi32, #tpu.memory_space<vmem>>)
      %add3A_160 = arith.constant 1 : i32
      %add3A_161 = arith.addi %add3A_67, %add3A_160 : i32
      %div3A_162 = arith.constant 8 : i32
      %div3A_163 = arith.divsi %add3A_161, %div3A_162 : i32
      %rem3A_164 = arith.constant 8 : i32
      %rem3A_165 = arith.remsi %add3A_161, %rem3A_164 : i32
      %mul3A_166 = arith.constant 128 : i32
      %mul3A_167 = arith.muli %add3A, %mul3A_166 : i32
      %mul3A_168 = arith.constant 16 : i32
      %mul3A_169 = arith.muli %div3A_163, %mul3A_168 : i32
      %add3A_170 = arith.addi %mul3A_167, %mul3A_169 : i32
      %mul3A_171 = arith.constant 512 : i32
      %mul3A_172 = arith.muli %rem3A_165, %mul3A_171 : i32
      %rem3A_173 = arith.constant 8 : i32
      %rem3A_174 = arith.remsi %add3A_161, %rem3A_173 : i32
      %eq3A_175 = arith.constant 0 : i32
      %eq3A_176 = arith.cmpi eq, %rem3A_174, %eq3A_175 : i32
      %convert_element_type3A_177 = arith.extui %eq3A_176 : i1 to i32
      %cond3A_178 = arith.constant 0 : i32
      %cond3A_179 = arith.cmpi ne, %convert_element_type3A_177, %cond3A_178 : i32
      scf.if %cond3A_179 {
        %parallel_loop3A_204 = arith.constant 0 : i32
        %parallel_loop3A_205 = arith.constant 1024 : i32
        %parallel_loop3A_206 = arith.constant 1 : i32
        scf.for %parallel_loop3A_207 = %parallel_loop3A_204 to %parallel_loop3A_205 step %parallel_loop3A_206  : i32 {
          %parallel_loop3A_208 = arith.constant 64 : i32
          %parallel_loop3A_209 = arith.divsi %parallel_loop3A_207, %parallel_loop3A_208 : i32
          %parallel_loop3A_210 = arith.constant 64 : i32
          %parallel_loop3A_211 = arith.remsi %parallel_loop3A_207, %parallel_loop3A_210 : i32
          %parallel_loop3A_212 = arith.constant 16 : i32
          %parallel_loop3A_213 = arith.muli %parallel_loop3A_211, %parallel_loop3A_212 : i32
          %parallel_loop3A_214 = arith.index_cast %parallel_loop3A_209 : i32 to index
          %parallel_loop3A_215 = arith.index_cast %parallel_loop3A_213 : i32 to index
          %parallel_loop3A_216 = tpu.vector_load %arg11[%parallel_loop3A_214, %parallel_loop3A_215] {strides = array<i32>} : memref<16x1024xf32, #tpu.memory_space<vmem>>, vector<16xf32>,
          tpu.vector_store %arg11[%parallel_loop3A_214, %parallel_loop3A_215], %broadcast_in_dim3A_1 {strides = array<i32>} : memref<16x1024xf32, #tpu.memory_space<vmem>>, vector<16xf32>,
        } {sc.loop_unroll_factor = 1 : i64, sc.parallel_access}
      } else {
      }
      %broadcast_in_dim3A_180 = arith.constant 0 : i32
      %broadcast_in_dim3A_181 = vector.broadcast %broadcast_in_dim3A_180 : i32 to vector<16xi32>
      %parallel_loop3A_182 = arith.constant 0 : i32
      %parallel_loop3A_183 = arith.constant 512 : i32
      %parallel_loop3A_184 = arith.constant 1 : i32
      %parallel_loop3A_185 = arith.constant 0 : i32
      %parallel_loop3A_186:2 = scf.for %parallel_loop3A_204 = %parallel_loop3A_182 to %parallel_loop3A_183 step %parallel_loop3A_184 iter_args(%parallel_loop3A_205 = %broadcast_in_dim3A_181, %parallel_loop3A_206 = %parallel_loop3A_185) -> (vector<16xi32>, i32)  : i32 {
        %parallel_loop3A_207 = tpu.vector_load_idx %arg8[%iota3A, %parallel_loop3A_205] : memref<16x513xi32, #tpu.memory_space<vmem>>[vector<16xi32>, vector<16xi32>], vector<16xi32>,
        %parallel_loop3A_208 = arith.index_cast %parallel_loop3A_206 : i32 to index
        %parallel_loop3A_209 = tpu.vector_load %arg10[%parallel_loop3A_208] {strides = array<i32>} : memref<8192xi32, #tpu.memory_space<vmem>>, vector<16xi32>,
        tpu.vector_store %arg10[%parallel_loop3A_208], %parallel_loop3A_207 {strides = array<i32>} : memref<8192xi32, #tpu.memory_space<vmem>>, vector<16xi32>,
        %parallel_loop3A_210 = tpu.vector_load_idx %arg6[%iota3A, %parallel_loop3A_205] : memref<16x513xf32, #tpu.memory_space<vmem>>[vector<16xi32>, vector<16xi32>], vector<16xf32>,
        %parallel_loop3A_211 = arith.index_cast %parallel_loop3A_206 : i32 to index
        %parallel_loop3A_212 = tpu.vector_load %arg9[%parallel_loop3A_211] {strides = array<i32>} : memref<8192xf32, #tpu.memory_space<vmem>>, vector<16xf32>,
        tpu.vector_store %arg9[%parallel_loop3A_211], %parallel_loop3A_210 {strides = array<i32>} : memref<8192xf32, #tpu.memory_space<vmem>>, vector<16xf32>,
        %parallel_loop3A_213 = arith.constant 1 : i32
        %parallel_loop3A_214 = vector.broadcast %parallel_loop3A_213 : i32 to vector<16xi32>
        %parallel_loop3A_215 = arith.addi %parallel_loop3A_205, %parallel_loop3A_214 : vector<16xi32>
        %parallel_loop3A_216 = arith.constant 16 : i32
        %parallel_loop3A_217 = arith.addi %parallel_loop3A_206, %parallel_loop3A_216 : i32
        scf.yield %parallel_loop3A_215, %parallel_loop3A_217 : vector<16xi32>, i32
      } {sc.loop_unroll_factor = 8 : i64, sc.parallel_access}
      %scan3A_187 = arith.constant 0 : i32
      %scan3A_188 = arith.constant 512 : i32
      %scan3A_189 = arith.addi %scan3A_187, %scan3A_188 : i32
      %scan3A_190 = arith.constant 1 : i32
      scf.for %scan3A_204 = %scan3A_187 to %scan3A_189 step %scan3A_190  : i32 {
        %mul3A_205 = arith.constant 1 : i32
        %mul3A_206 = arith.muli %scan3A_204, %mul3A_205 : i32
        %add3A_207 = arith.constant 0 : i32
        %add3A_208 = arith.addi %add3A_207, %mul3A_206 : i32
        %mul3A_209 = arith.constant 16 : i32
        %mul3A_210 = arith.muli %add3A_208, %mul3A_209 : i32
        %get3A = arith.index_cast %mul3A_210 : i32 to index
        %get3A_211 = tpu.vector_load %arg10[%get3A] {strides = array<i32>} : memref<8192xi32, #tpu.memory_space<vmem>>, vector<16xi32>,
        %get3A_212 = arith.index_cast %mul3A_210 : i32 to index
        %get3A_213 = tpu.vector_load %arg9[%get3A_212] {strides = array<i32>} : memref<8192xf32, #tpu.memory_space<vmem>>, vector<16xf32>,
        %gather3A = tpu.vector_load_idx %arg11[%iota3A, %get3A_211] : memref<16x1024xf32, #tpu.memory_space<vmem>>[vector<16xi32>, vector<16xi32>], vector<16xf32>,
        %max3A = arith.maximumf %gather3A, %get3A_213 : vector<16xf32>
        tpu.vector_store_idx %arg11[%iota3A, %get3A_211], %max3A : memref<16x1024xf32, #tpu.memory_space<vmem>>[vector<16xi32>, vector<16xi32>], vector<16xf32>,
      }
      %scan3A_191 = arith.constant 512 : i32
      %eq3A_192 = arith.constant 7 : i32
      %eq3A_193 = arith.cmpi eq, %rem3A_174, %eq3A_192 : i32
      %convert_element_type3A_194 = arith.extui %eq3A_193 : i1 to i32
      %cond3A_195 = arith.constant 0 : i32
      %cond3A_196 = arith.cmpi ne, %convert_element_type3A_194, %cond3A_195 : i32
      scf.if %cond3A_196 {
        %parallel_loop3A_204 = arith.constant 0 : i32
        %parallel_loop3A_205 = arith.constant 1024 : i32
        %parallel_loop3A_206 = arith.constant 1 : i32
        scf.for %parallel_loop3A_207 = %parallel_loop3A_204 to %parallel_loop3A_205 step %parallel_loop3A_206  : i32 {
          %parallel_loop3A_208 = arith.constant 64 : i32
          %parallel_loop3A_209 = arith.divsi %parallel_loop3A_207, %parallel_loop3A_208 : i32
          %parallel_loop3A_210 = arith.constant 64 : i32
          %parallel_loop3A_211 = arith.remsi %parallel_loop3A_207, %parallel_loop3A_210 : i32
          %parallel_loop3A_212 = arith.constant 16 : i32
          %parallel_loop3A_213 = arith.muli %parallel_loop3A_211, %parallel_loop3A_212 : i32
          %parallel_loop3A_214 = arith.index_cast %parallel_loop3A_209 : i32 to index
          %parallel_loop3A_215 = arith.index_cast %parallel_loop3A_213 : i32 to index
          %parallel_loop3A_216 = tpu.vector_load %arg11[%parallel_loop3A_214, %parallel_loop3A_215] {strides = array<i32>} : memref<16x1024xf32, #tpu.memory_space<vmem>>, vector<16xf32>,
          %parallel_loop3A_217 = arith.cmpf oeq, %parallel_loop3A_216, %broadcast_in_dim3A_1 : vector<16xf32>
          %parallel_loop3A_218 = arith.select %parallel_loop3A_217, %broadcast_in_dim3A_3, %parallel_loop3A_216 : vector<16xi1>, vector<16xf32>
          %parallel_loop3A_219 = arith.index_cast %parallel_loop3A_209 : i32 to index
          %parallel_loop3A_220 = arith.index_cast %parallel_loop3A_213 : i32 to index
          %parallel_loop3A_221 = tpu.vector_load %arg11[%parallel_loop3A_219, %parallel_loop3A_220] {strides = array<i32>} : memref<16x1024xf32, #tpu.memory_space<vmem>>, vector<16xf32>,
          tpu.vector_store %arg11[%parallel_loop3A_219, %parallel_loop3A_220], %parallel_loop3A_218 {strides = array<i32>} : memref<16x1024xf32, #tpu.memory_space<vmem>>, vector<16xf32>,
        } {sc.loop_unroll_factor = 1 : i64, sc.parallel_access}
        "tpu.region"() ({
          %run_scoped3A = tpu.sem_alloc : memref<!tpu.dma_semaphore, #tpu.memory_space<semaphore_mem>>
          %dma_start3A_207 = arith.constant 0 : i32
          %dma_start3A_208 = tpu.memref_slice %arg4[%add3A_170, %dma_start3A_207] : memref<4096x1024xf32, #tpu.memory_space<hbm>> -> memref<16x1024xf32, #tpu.memory_space<hbm>>
          %dma_start3A_209 = arith.constant 0 : i32
          %dma_start3A_210 = tpu.memref_slice %arg4[%add3A_170, %dma_start3A_209] : memref<4096x1024xf32, #tpu.memory_space<hbm>> -> memref<16x1024xf32, #tpu.memory_space<hbm>>
          tpu.enqueue_dma source(%arg11 : memref<16x1024xf32, #tpu.memory_space<vmem>>) target(%dma_start3A_210 : memref<16x1024xf32, #tpu.memory_space<hbm>>) target_semaphore(%run_scoped3A : memref<!tpu.dma_semaphore, #tpu.memory_space<semaphore_mem>>)
          %dma_wait3A_211 = arith.constant 0 : i32
          %dma_wait3A_212 = tpu.memref_slice %arg4[%add3A_170, %dma_wait3A_211] : memref<4096x1024xf32, #tpu.memory_space<hbm>> -> memref<16x1024xf32, #tpu.memory_space<hbm>>
          %dma_wait3A_213 = arith.constant 0 : i32
          %dma_wait3A_214 = tpu.memref_slice %arg4[%add3A_170, %dma_wait3A_213] : memref<4096x1024xf32, #tpu.memory_space<hbm>> -> memref<16x1024xf32, #tpu.memory_space<hbm>>
          tpu.wait_dma2 semaphore(%run_scoped3A : memref<!tpu.dma_semaphore, #tpu.memory_space<semaphore_mem>>) src(%arg11 : memref<16x1024xf32, #tpu.memory_space<vmem>>) dst(%dma_wait3A_214 : memref<16x1024xf32, #tpu.memory_space<hbm>>)
          tpu.yield
        }) : () -> ()
      } else {
      }
      %add3A_197 = arith.constant 3 : i32
      %add3A_198 = arith.addi %add3A_67, %add3A_197 : i32
      %lt3A_199 = arith.constant 64 : i32
      %lt3A_200 = arith.cmpi slt, %add3A_198, %lt3A_199 : i32
      %convert_element_type3A_201 = arith.extui %lt3A_200 : i1 to i32
      %cond3A_202 = arith.constant 0 : i32
      %cond3A_203 = arith.cmpi ne, %convert_element_type3A_201, %cond3A_202 : i32
      scf.if %cond3A_203 {
        %add3A_204 = arith.constant 3 : i32
        %add3A_205 = arith.addi %add3A_67, %add3A_204 : i32
        %div3A_206 = arith.constant 8 : i32
        %div3A_207 = arith.divsi %add3A_205, %div3A_206 : i32
        %rem3A_208 = arith.constant 8 : i32
        %rem3A_209 = arith.remsi %add3A_205, %rem3A_208 : i32
        %mul3A_210 = arith.constant 128 : i32
        %mul3A_211 = arith.muli %add3A, %mul3A_210 : i32
        %mul3A_212 = arith.constant 16 : i32
        %mul3A_213 = arith.muli %div3A_207, %mul3A_212 : i32
        %add3A_214 = arith.addi %mul3A_211, %mul3A_213 : i32
        %mul3A_215 = arith.constant 512 : i32
        %mul3A_216 = arith.muli %rem3A_209, %mul3A_215 : i32
        %dma_start3A_217 = arith.constant 0 : i32
        %dma_start3A_218 = arith.constant 0 : i32
        %dma_start3A_219 = tpu.memref_slice %arg6[%dma_start3A_217, %dma_start3A_218] : memref<16x513xf32, #tpu.memory_space<vmem>> -> memref<16x512xf32, #tpu.memory_space<vmem>>
        %dma_start3A_220 = tpu.memref_slice %arg2[%add3A_214, %mul3A_216] : memref<4096x4096xf32, #tpu.memory_space<hbm>> -> memref<16x512xf32, #tpu.memory_space<hbm>>
        %dma_start3A_221 = arith.constant 0 : i32
        %dma_start3A_222 = arith.constant 0 : i32
        %dma_start3A_223 = tpu.memref_slice %arg6[%dma_start3A_221, %dma_start3A_222] : memref<16x513xf32, #tpu.memory_space<vmem>> -> memref<16x512xf32, #tpu.memory_space<vmem>>
        %dma_start3A_224 = tpu.memref_slice %arg2[%add3A_214, %mul3A_216] : memref<4096x4096xf32, #tpu.memory_space<hbm>> -> memref<16x512xf32, #tpu.memory_space<hbm>>
        tpu.enqueue_dma source(%dma_start3A_224 : memref<16x512xf32, #tpu.memory_space<hbm>>) target(%dma_start3A_223 : memref<16x512xf32, #tpu.memory_space<vmem>>) target_semaphore(%arg13 : memref<!tpu.dma_semaphore, #tpu.memory_space<semaphore_mem>>)
        %dma_start3A_225 = arith.constant 0 : i32
        %dma_start3A_226 = arith.constant 0 : i32
        %dma_start3A_227 = tpu.memref_slice %arg8[%dma_start3A_225, %dma_start3A_226] : memref<16x513xi32, #tpu.memory_space<vmem>> -> memref<16x512xi32, #tpu.memory_space<vmem>>
        %dma_start3A_228 = tpu.memref_slice %arg3[%add3A_214, %mul3A_216] : memref<4096x4096xi32, #tpu.memory_space<hbm>> -> memref<16x512xi32, #tpu.memory_space<hbm>>
        %dma_start3A_229 = arith.constant 0 : i32
        %dma_start3A_230 = arith.constant 0 : i32
        %dma_start3A_231 = tpu.memref_slice %arg8[%dma_start3A_229, %dma_start3A_230] : memref<16x513xi32, #tpu.memory_space<vmem>> -> memref<16x512xi32, #tpu.memory_space<vmem>>
        %dma_start3A_232 = tpu.memref_slice %arg3[%add3A_214, %mul3A_216] : memref<4096x4096xi32, #tpu.memory_space<hbm>> -> memref<16x512xi32, #tpu.memory_space<hbm>>
        tpu.enqueue_dma source(%dma_start3A_232 : memref<16x512xi32, #tpu.memory_space<hbm>>) target(%dma_start3A_231 : memref<16x512xi32, #tpu.memory_space<vmem>>) target_semaphore(%arg13 : memref<!tpu.dma_semaphore, #tpu.memory_space<semaphore_mem>>)
      } else {
      }
    }
    %scan3A_62 = arith.constant 32 : i32
    return
  }
}

</mosaic_0001>

<sc_bundles>
// kernel: kernel.3.cloned.1.call-start
scs
__scs_entry_jumppad:
0x0: {  	(pc) =	sbr.rel $0x88, $3  }
0x1: {  	(tag) =	ssettag $0x0;
	lr =	simm.s32 $0x1  }
0x2: {  	[smem:$0x3F9F] =	sst lr;
	_ =	strace $0xD0000000  }
0x3: {  	_ = 	snop  }
0x4: {  	_ = 	snop  }
0x5: {  	_ = 	snop  }
0x6: {  	_ = 	snop  }
0x7: {  	_ = 	snop  }
__scs_overlays_trampoline_lowered:
0x8: {  	[smem:$0x3FAE] =	sst s0  }
0x9: {  	[smem:$0x3FAF] =	sst s1  }
0xa: {  	[smem:$0x3FB0] =	sst s2  }
0xb: {  	[smem:$0x3FB1] =	sst s3  }
0xc: {  	[smem:$0x3FB2] =	sst s4  }
0xd: {  	[smem:$0x3FB3] =	sst s5  }
0xe: {  	[smem:$0x3FB4] =	sst s6  }
0xf: {  	[smem:$0x3FB5] =	sst s7  }
0x10: {  	[smem:$0x3FB6] =	sst s8  }
0x11: {  	[smem:$0x3FB7] =	sst s9;
	s0 =	simm.s32 @!p0 $0x0  }
0x12: {  	s1 =	sld [smem:$0x3F9D];
	s0 =	simm.s32 @p0 $0x1  }
0x13: {  	[smem:$0x3FB8] =	sst s0;
	s0 =	simm.s32 @!p1 $0x0  }
0x14: {  	s2 =	sld [smem:$0x3F9C];
	s0 =	simm.s32 @p1 $0x1  }
0x15: {  	[smem:$0x3FB9] =	sst s0;
	s0 =	simm.s32 @!p2 $0x0  }
0x16: {  	s3 =	sld [smem:$0x3FDB];
	s0 =	simm.s32 @p2 $0x1  }
0x17: {  	s4 =	simm.s32 $0x1BF5;
	[smem:$0x3FBB] =	sst s0  }
0x18: {  	s0 =	sld [smem:$0x3F9E];
	_ =	swait.ge [sflag:s4], $0x0  }
0x19: {  	s7 =	sld [smem:$0x3F9F]  }
0x1a: {  	s8 =	sadd.s32 $0xFFFFE003, lr  }
0x1b: {  	s9 =	sadd.s32 $0xFFFFFEF7, lr;
	s5 =	simm.s32 $0xFFFFFFFF;
	p2 =	slt.u32 s8, $0xFFFFF086  }
0x1c: {  	p1 =	slt.u32 s9, $0xF7A;
	s5 =	simm.s32 @!p2 $0x0  }
0x1d: {  	s5 =	simm.s32 @p1 $0x1;
	p0 =	seq.s32 s7, s2  }
0x1e: {  	s7 =	smul.u32 @!p0 $0xF7A, s2;
	p2 =	seq.s32 @!p0 s5, $0x0  }
0x1f: {  	s9 =	smul.u32 $0xF7A, s1;
	s8 =	simm.s32 @!p0 $0x1BF5;
	p2 =	por !p2, p0  }
0x20: {  	[sflag:s8] =	ssyncset.s32 @!p0 $0xFFFFF086;
	s6 =	sadd.s32 @!p0 s3, s7;
	s7 =	simm.s32 @!p0 $0x108  }
0x21: {  	s3 =	sadd.s32 s3, s9;
	s6 =	sadd.s32 @!p0 $0x88, s6;
	s7 =	simm.s32 @p2 $0x1082  }
0x22: {  	[simem:s7], [sflag:s8] =	dma.local @!p0 [hbm:s6], $0xF7A  }
0x23: {  	s9 =	sor.u32 $0xD0000000, s2;
	s6 =	simm.s32 $0x108;
	_ =	swait.ge @!p0 [sflag:s8], $0x0  }
0x24: {  	s3 =	sadd.s32 $0x88, s3;
	s6 =	simm.s32 @!p1 $0x1082;
	[sflag:s4] =	ssyncset.s32 $0xFFFFF086  }
0x25: {  	[simem:s6], [sflag:s4] =	dma.local [hbm:s3], $0xF7A  }
0x26: {  	[smem:$0x3F9F] =	sst s1;
	(tag) =	ssettag s2;
	_ =	strace s9  }
0x27: {  	s1 =	sld [smem:$0x3FAF]  }
0x28: {  	s2 =	sld [smem:$0x3FB0]  }
0x29: {  	s4 =	sld [smem:$0x3FB2]  }
0x2a: {  	p0 =	seq.s32 s5, $0x0;
	s5 =	sld [smem:$0x3FB3]  }
0x2b: {  	s6 =	sld [smem:$0x3FB4]  }
0x2c: {  	s7 =	sld [smem:$0x3FB5]  }
0x2d: {  	s3 =	simm.s32 $0x108;
	s8 =	sld [smem:$0x3FB6]  }
0x2e: {  	s3 =	simm.s32 @!p0 $0x1082;
	s9 =	sld [smem:$0x3FB7]  }
0x2f: {  	lr =	sadd.s32 s0, s3;
	s0 =	sld [smem:$0x3FAE]  }
0x30: {  	s3 =	sld [smem:$0x3FB1]  }
0x31: {  	[smem:$0x3FBA] =	sst s10  }
0x32: {  	s10 =	sld [smem:$0x3FB8];
	_ =	sdelay $0x3  }
0x33: {  	p0 =	seq.s32 s10, $0x1;
	s10 =	sld [smem:$0x3FBA];
	_ =	sdelay $0x3  }
0x34: {  	[smem:$0x3FBA] =	sst s10  }
0x35: {  	s10 =	sld [smem:$0x3FB9];
	_ =	sdelay $0x3  }
0x36: {  	p1 =	seq.s32 s10, $0x1;
	s10 =	sld [smem:$0x3FBA];
	_ =	sdelay $0x3  }
0x37: {  	[smem:$0x3FBA] =	sst s10  }
0x38: {  	s10 =	sld [smem:$0x3FBB]  }
0x39: {  	_ = 	snop;
	(pc) =	sbr.ind lr, $3  }
0x3a: {  	_ = 	snop  }
0x3b: {  	_ = 	snop  }
0x3c: {  	p2 =	seq.s32 s10, $0x1;
	s10 =	sld [smem:$0x3FBA]  }
0x3d: {  	_ =	shalt  }
0x3e: {  	_ =	shalt  }
0x3f: {  	_ =	shalt  }
0x40: {  	_ =	shalt  }
0x41: {  	_ =	shalt  }
0x42: {  	_ =	shalt  }
0x43: {  	_ =	shalt  }
0x44: {  	_ =	shalt  }
0x45: {  	_ =	shalt  }
0x46: {  	_ =	shalt  }
0x47: {  	_ =	shalt  }
0x48: {  	_ =	shalt  }
0x49: {  	_ =	shalt  }
0x4a: {  	_ =	shalt  }
0x4b: {  	_ =	shalt  }
0x4c: {  	_ =	shalt  }
0x4d: {  	_ =	shalt  }
0x4e: {  	_ =	shalt  }
0x4f: {  	_ =	shalt  }
0x50: {  	_ =	shalt  }
0x51: {  	_ =	shalt  }
0x52: {  	_ =	shalt  }
0x53: {  	_ =	shalt  }
0x54: {  	_ =	shalt  }
0x55: {  	_ =	shalt  }
0x56: {  	_ =	shalt  }
0x57: {  	_ =	shalt  }
0x58: {  	_ =	shalt  }
0x59: {  	_ =	shalt  }
0x5a: {  	_ =	shalt  }
0x5b: {  	_ =	shalt  }
0x5c: {  	_ =	shalt  }
0x5d: {  	_ =	shalt  }
0x5e: {  	_ =	shalt  }
0x5f: {  	_ =	shalt  }
0x60: {  	_ =	shalt  }
0x61: {  	_ =	shalt  }
0x62: {  	_ =	shalt  }
0x63: {  	_ =	shalt  }
0x64: {  	_ =	shalt  }
0x65: {  	_ =	shalt  }
0x66: {  	_ =	shalt  }
0x67: {  	_ =	shalt  }
0x68: {  	_ =	shalt  }
0x69: {  	_ =	shalt  }
0x6a: {  	_ =	shalt  }
0x6b: {  	_ =	shalt  }
0x6c: {  	_ =	shalt  }
0x6d: {  	_ =	shalt  }
0x6e: {  	_ =	shalt  }
0x6f: {  	_ =	shalt  }
0x70: {  	_ =	shalt  }
0x71: {  	_ =	shalt  }
0x72: {  	_ =	shalt  }
0x73: {  	_ =	shalt  }
0x74: {  	_ =	shalt  }
0x75: {  	_ =	shalt  }
0x76: {  	_ =	shalt  }
0x77: {  	_ =	shalt  }
0x78: {  	_ =	shalt  }
0x79: {  	_ =	shalt  }
0x7a: {  	_ =	shalt  }
0x7b: {  	_ =	shalt  }
0x7c: {  	_ =	shalt  }
0x7d: {  	_ =	shalt  }
0x7e: {  	_ =	shalt  }
0x7f: {  	_ =	shalt  }
0x80: {  	_ =	shalt  }
0x81: {  	_ =	shalt  }
0x82: {  	_ =	shalt  }
0x83: {  	_ =	shalt  }
0x84: {  	_ =	shalt  }
0x85: {  	_ =	shalt  }
0x86: {  	_ =	shalt  }
0x87: {  	_ =	shalt  }
.Lfunc_end0:
.L_simem_size_0:
called_computation_lowered:
.L_overlay_start_0:
0x88: {  	s2 =	sld [smem:$0x3FD9]  }
0x89: {  	s3 =	sld [smem:$0x3FFE];
	_ =	sdelay $0x1  }
0x8a: {  	s1 =	srdreg.scid  }
0x8b: {  	s0 =	sand.u32 $0x1, s1  }
0x8c: {  	s18 =	sshll.u32 s0, $0xA;
	s2 =	sadd.s32 s3, s2  }
0x8d: {  	s2 =	sadd.s32 s2, s18  }
0x8e: {  	[smem:$0x3FC6] =	sst s2  }
0x8f: {  	_ = 	snop  }
0x90: {  	s2 =	sld [smem:$0x3FC9]  }
0x91: {  	s19 =	sld [smem:$0x3FC8]  }
0x92: {  	s4 =	sld [smem:$0x3FD0];
	(tm) =	ssettm $0x1  }
0x93: {  	s5 =	sld [smem:$0x3FFB];
	_ =	sdelay $0x3  }
0x94: {  	_ =	strace s5  }
0x95: {  	s5 =	sld [smem:$0x3FFC];
	_ =	sdelay $0x3  }
0x96: {  	_ =	strace s5  }
0x97: {  	s5 =	sld [smem:$0x3FFD];
	_ =	sdelay $0x3  }
0x98: {  	_ =	strace s5  }
0x99: {  	_ =	strace $0x8FFFFFFF  }
0x9a: {  	s20 =	sld [smem:$0x3FDB];
	_ =	sdelay $0x1  }
0x9b: {  	s6 =	simm.s32 $_scs_section_size  }
0x9c: {  	s7 =	simm.s32 $_size__tile_overlayer_lowered;
	s8 =	simm.s32 $_tile_overlayer_lowered  }
0x9d: {  	s23 =	simm.s32 $0x1BFF;
	s22 =	sshll.u32 s8, $0x1;
	s5 =	sadd.s32 s6, s20  }
0x9e: {  	s9 =	simm.s32 $0x0;
	s21 =	sshll.u32 s7, $0x1;
	s7 =	sadd.s32 s22, s5  }
0x9f: {  	[timem:s9], [sflag:s23] =	dma.local [hbm:s7], s21  }
0xa0: {  	_ =	swait.ge [sflag:s23], s21  }
0xa1: {  	s6 =	ssub.s32 $0x0, s21;
	[sflag:s23] =	ssyncset.done $0x0  }
0xa2: {  	[sflag:s23] =	ssyncadd.s32 s6;
	_ =	sdelay $0x1  }
0xa3: {  	s24 =	simm.s32 $0x1B8B  }
0xa4: {  	_ =	swait.ge [sflag:s24], $0x1  }
0xa5: {  	[sflag:s24] =	ssyncset.done $0x0  }
0xa6: {  	s25 =	simm.s32 $0x1B8E;
	[sflag:s24] =	ssyncadd.s32 $0xFFFFFFFF  }
0xa7: {  	s26 =	simm.s32 $execute0_lowered;
	[smem:$0x3FD2] =	sst s25  }
0xa8: {  	s6 =	sshll.u32 s26, $0x1;
	_ =	strace $0x80000046;
	[dreg:$0x1] =	wrdreg $0xFFFFFFFF  }
0xa9: {  	s28 =	simm.s32 $_size_execute0_lowered;
	s5 =	sadd.s32 s5, s6;
	[dreg:$0x0] =	wrdreg $0x0  }
0xaa: {  	s6 =	sshll.u32 s28, $0x1;
	[dreg:$0x2] =	wrdreg s5  }
0xab: {  	[dreg:$0x3] =	wrdreg s6  }
0xac: {  	[dreg:$0x4] =	wrdreg $0xC0  }
0xad: {  	_ =	task [dreg:s9], $0x5FFFF  }
0xae: {  	[dreg:$0x1] =	wrdreg $0xFFFFFFFF  }
0xaf: {  	[dreg:$0x0] =	wrdreg $0x60  }
0xb0: {  	[dreg:$0x2] =	wrdreg s2  }
0xb1: {  	[dreg:$0x3] =	wrdreg s19  }
0xb2: {  	[dreg:$0x4] =	wrdreg s4  }
0xb3: {  	[dreg:$0x5] =	wrdreg $0x9  }
0xb4: {  	_ =	task.clear_ibuf [dreg:s9], $0x6FFFF;
	_ =	strace $0x90000046  }
0xb5: {  	s29 =	simm.s32 $0x9;
	_ =	strace $0x80000048  }
0xb6: {  	_ =	swait.ge [sflag:s29], $0x1  }
0xb7: {  	[sflag:s29] =	ssyncadd.s32 $0xFFFFFFFF  }
0xb8: {  	_ =	strace $0x90000048  }
0xb9: {  	_ =	sfence  }
0xba: {  	s30 =	sld [smem:$0x0];
	_ =	sdelay $0x2  }
0xbb: {  	s31 =	sshll.u32 s1, $0xD;
	s1 =	sshrl.u32 s1, $0x2  }
0xbc: {  	s3 =	sand.u32 $0x4000, s31;
	s1 =	sadd.s32 s1, s30  }
0xbd: {  	s0 =	sor.u32 s3, s0;
	s1 =	sshll.u32 s1, $0x11  }
0xbe: {  	s0 =	sor.u32 s1, s0  }
0xbf: {  	s0 =	sadd.s32 $0x8F2B, s0  }
0xc0: {  	[sflag:s0] =	ssyncadd.remote.s32 $0x1  }
0xc1: {  	_ =	sfence.sel $0xFFFF  }
0xc2: {  	[dreg:$0x0] =	wrdreg $0xFFFFFFFF;
	(pc) =	sbr.abs _section_cstart, $3  }
0xc3: {  	[dreg:$0x1] =	wrdreg $0xFFFFFFFF  }
0xc4: {  	_ =	task.clear_ibuf [dreg:s9], $0x2FFFF;
	_ =	strace $0x9FFFFFFF  }
0xc5: {  	(tm) =	ssettm $0x7FFFFFFF  }
tec
execute0_lowered:
.L_overlay_start_1:
0x0: {  	(tag) =	ssettag $0x1  }
0x1: {  	v0 =	vimm.s32 $0x1780  }
0x2: {  	vm2 =	vcmask $0x300;
	vm4 =	vcmask $0x704;
	vm6 =	vcmask $0xB08  }
0x3: {  	vm7 =	vcmask $0xF0C;
	vm5 =	vcmask $0x1310;
	vm3 =	vcmask $0x1714  }
0x4: {  	vm1 =	vcmask $0x1B18;
	vm0 =	vcmask $0x1F1C;
	v2 =	vimm.s32 $0x1783  }
0x5: {  	v3 =	vimm.s32 $0x2380;
	vm9 =	vcmask $0x2320;
	vm10 =	vcmask $0x2724  }
0x6: {  	vm11 =	vcmask $0x2B28;
	vm12 =	vcmask $0x2F2C;
	vm13 =	vcmask $0x3330  }
0x7: {  	vm14 =	vcmask $0x3734;
	vm15 =	vcmask $0x3B38;
	v0 =	vsel vm2, $0x0, v0  }
0x8: {  	s0 =	rddreg [dreg:$0x0];
	v2 =	vsel vm2, $0x3, v2;
	v3 =	vsel vm2, $0x0, v3;
	v0 =	vsel vm4, $0x80, v0  }
0x9: {  	s1 =	rddreg [dreg:$0x1];
	v2 =	vsel vm4, $0x83, v2;
	v3 =	vsel vm4, $0x80, v3;
	v0 =	vsel vm6, $0x100, v0  }
0xa: {  	s2 =	rddreg [dreg:$0x2];
	s3 =	srdreg.scid;
	s4 =	simm.s32 $0x0;
	v2 =	vsel vm6, $0x103, v2;
	v3 =	vsel vm6, $0x100, v3;
	v0 =	vsel vm7, $0x180, v0  }
0xb: {  	s5 =	stileid.u32;
	s17 =	simm.s32 $0x5000;
	s19 =	simm.s32 $0x2800;
	v2 =	vsel vm7, $0x183, v2;
	v3 =	vsel vm7, $0x180, v3;
	v0 =	vsel vm5, $0x200, v0  }
0xc: {  	s20 =	simm.s32 $0x3C00;
	s21 =	simm.s32 $0x7800;
	s22 =	simm.s32 $0x8C00;
	v2 =	vsel vm5, $0x203, v2;
	v3 =	vsel vm5, $0x200, v3;
	v1 =	vsel vm3, $0x280, v0  }
0xd: {  	s23 =	simm.s32 $0x1;
	s24 =	simm.s32 $0xE000;
	s25 =	simm.s32 $0x2;
	v0 =	vimm.f32 $-Inf;
	v2 =	vsel vm3, $0x283, v2;
	v3 =	vsel vm3, $0x280, v3  }
0xe: {  	s26 =	simm.s32 $0x3;
	s28 =	simm.s32 $0x0;
	s3 =	sand.u32 $0x1, s3;
	v1 =	vsel vm1, $0x300, v1;
	v2 =	vsel vm1, $0x303, v2;
	v3 =	vsel vm1, $0x300, v3  }
0xf: {  	s5 =	sshll.u32 s5, $0x8;
	s6 =	ssub.s32 $0x2, s3;
	s3 =	sshll.u32 s3, $0x7;
	v1 =	vsel vm0, $0x380, v1;
	v2 =	vsel vm0, $0x383, v2;
	v3 =	vsel vm0, $0x380, v3  }
0x10: {  	[smem:$0x7FF] =	sst s4;
	s7 =	sshrl.u32 s6, $0x1;
	s5 =	sor.u32 s3, s5;
	v1 =	vsel vm9, $0x1400, v1;
	v2 =	vsel vm9, $0x1403, v2;
	v3 =	vsel vm9, $0x2000, v3  }
0x11: {  	_ =	strace $0x80000047;
	s29 =	ssub.s32 s6, s7;
	s8 =	sshll.u32 s5, $0x9;
	v1 =	vsel vm10, $0x1480, v1;
	v2 =	vsel vm10, $0x1483, v2;
	v3 =	vsel vm10, $0x2080, v3  }
.Ltmp0:
0x12: {  	s10 =	sshll.u32 s5, $0x7;
	s6 =	sadd.s32 s0, s8;
	v1 =	vsel vm11, $0x1500, v1;
	v2 =	vsel vm11, $0x1503, v2;
	v3 =	vsel vm11, $0x2100, v3;
	(pc) =	sbr.rel .LBB2_1-.Ltmp0, $4  }
0x13: {  	s7 =	sadd.s32 s1, s8;
	s9 =	sor.u32 $0x200, s8;
	s10 =	sadd.s32 s2, s10;
	v1 =	vsel vm12, $0x1580, v1;
	v2 =	vsel vm12, $0x1583, v2;
	v3 =	vsel vm12, $0x2180, v3  }
0x14: {  	s30 =	smax.u32 s29, $0x1;
	s8 =	sadd.s32 s0, s9;
	s9 =	sadd.s32 s1, s9;
	v1 =	vsel vm13, $0x1600, v1;
	v2 =	vsel vm13, $0x1603, v2;
	v3 =	vsel vm13, $0x2200, v3  }
0x15: {  	[dreg:$0x4] =	wrdreg s30;
	s31 =	sadd.s32 $0x1000, s6;
	s13 =	sadd.s32 $0x1000, s7;
	v1 =	vsel vm14, $0x1680, v1;
	v2 =	vsel vm14, $0x1683, v2;
	v3 =	vsel vm14, $0x2280, v3  }
0x16: {  	[dreg:$0x5] =	wrdreg s31;
	s14 =	sadd.s32 $0x1000, s8;
	s15 =	sadd.s32 $0x1000, s9;
	v1 =	vsel vm15, $0x1700, v1;
	v2 =	vsel vm15, $0x1703, v2;
	v3 =	vsel vm15, $0x2300, v3  }
.LBB2_19:
0x17: {  	s28 =	sadd.s32 $0x1, s28;
	s2 =	rddreg [dreg:$0x4]  }
0x18: {  	p0 =	sne.s32 s28, s2  }
.Ltmp1:
0x19: {  	_ = 	snop;
	(pc) =	sbr.rel @!p0 .LBB2_20-.Ltmp1, $1  }
0x1a: {  	_ =	sdelay $0x3  }
.LBB2_1:
0x1b: {  	[tilespmem:s4], [sflag:$0x1] =	stream.linear.gather [hbm4b:s6+s4], $0x1000, $0x38;
	[tilespmem:$0x12000] =	vst v63  }
0x1c: {  	s2 =	rddreg [dreg:$0x5];
	s3 =	simm.s32 $0x1400  }
0x1d: {  	[tilespmem:s3], [sflag:$0x1] =	stream.linear.gather [hbm4b:s2+s4], $0x1000, $0x38;
	[tilespmem:$0x12000] =	vst v63  }
0x1e: {  	_ = 	snop  }
0x1f: {  	[tilespmem:s17], [sflag:$0x1] =	stream.linear.gather [hbm4b:s7+s4], $0x1000, $0x38;
	[tilespmem:$0x12000] =	vst v63  }
0x20: {  	s31 =	simm.s32 $0x6400  }
0x21: {  	[tilespmem:s31], [sflag:$0x1] =	stream.linear.gather [hbm4b:s13+s4], $0x1000, $0x38;
	[tilespmem:$0x12000] =	vst v63  }
0x22: {  	_ = 	snop  }
0x23: {  	[tilespmem:s19], [sflag:$0x2] =	stream.linear.gather [hbm4b:s8+s4], $0x1000, $0x38;
	[tilespmem:$0x12000] =	vst v63  }
0x24: {  	_ = 	snop  }
0x25: {  	[tilespmem:s20], [sflag:$0x2] =	stream.linear.gather [hbm4b:s14+s4], $0x1000, $0x38;
	[tilespmem:$0x12000] =	vst v63  }
0x26: {  	_ = 	snop  }
0x27: {  	[tilespmem:s21], [sflag:$0x2] =	stream.linear.gather [hbm4b:s9+s4], $0x1000, $0x38;
	[tilespmem:$0x12000] =	vst v63  }
0x28: {  	s29 =	simm.s32 $0x0  }
0x29: {  	[tilespmem:s22], [sflag:$0x2] =	stream.linear.gather [hbm4b:s15+s4], $0x1000, $0x38;
	[tilespmem:$0x12000] =	vst v63  }
.LBB2_2:
0x2a: {  	s30 =	sand.u32 $0x3, s29  }
0x2b: {  	_ =	swait.ge [sflag:s23], $0x2000;
	p0 =	sne.s32 s30, $0x0  }
.Ltmp2:
0x2c: {  	[sflag:s23] =	ssyncset.done $0x0;
	(pc) =	sbr.rel @p0 .LBB2_5-.Ltmp2, $4  }
0x2d: {  	[sflag:s23] =	ssyncadd.s32 $0xFFFFE000  }
0x2e: {  	_ =	swait.ge [sflag:s23], $0x2000  }
0x2f: {  	[sflag:s23] =	ssyncset.done $0x0  }
0x30: {  	[sflag:s23] =	ssyncadd.s32 $0xFFFFE000  }
0x31: {  	s2 =	simm.s32 $0x0;
	s3 =	simm.s32 $0x0  }
0x32: {  	s12 =	simm.s32 $0x0;
	s3 =	sand.u32 $0x2000, s3;
	s11 =	sand.u32 $0x1C00, s2  }
0x33: {  	s12 =	sand.u32 $0x380, s12;
	s3 =	sor.u32 s11, s3  }
0x34: {  	s31 =	sand.u32 $0x70, s2;
	s3 =	sor.u32 s12, s3  }
0x35: {  	s11 =	sor.u32 s31, s3  }
0x36: {  	s3 =	simm.s32 $0x1;
	[tilespmem:s11+$0xE000] =	vst v0;
	s11 =	simm.s32 $0x80  }
.LBB2_4:
0x37: {  	s12 =	sshll.u32 s3, $0x4;
	p0 =	sne.s32 s3, $0x3FF  }
0x38: {  	s16 =	smov.u32 s3;
	s3 =	sadd.s32 $0x1, s3;
	s18 =	sand.u32 $0x1C00, s11  }
.Ltmp3:
0x39: {  	s12 =	sand.u32 $0x2000, s12;
	s16 =	sshll.u32 s16, $0x1;
	(pc) =	sbr.rel @p0 .LBB2_4-.Ltmp3, $4  }
0x3a: {  	s2 =	sadd.s32 $0x10, s2;
	s16 =	sand.u32 $0x380, s16;
	s12 =	sor.u32 s18, s12  }
0x3b: {  	s18 =	sand.u32 $0x70, s2;
	s12 =	sor.u32 s16, s12  }
0x3c: {  	s12 =	sor.u32 s18, s12  }
0x3d: {  	s11 =	sadd.s32 $0x80, s11;
	[tilespmem:s12+$0xE000] =	vst v0  }
.LBB2_5:
0x3e: {  	v5 =	vimm.s32 $0x0  }
0x3f: {  	v4 =	vshll.u32 v5, $0x3  }
0x40: {  	v6 =	vand.u32 $0x78, v5;
	v4 =	vand.u32 $0xFFFFFC00, v4  }
0x41: {  	v4 =	vor.u32 v6, v4  }
0x42: {  	v6 =	vadd.s32 v1, v4  }
0x43: {  	v4 =	vadd.s32 v2, v4  }
0x44: {  	v7 =	vor.u32 $0x7, v6  }
0x45: {  	v8 =	vor.u32 $0x1, v6  }
0x46: {  	v9 =	vor.u32 $0x2, v6  }
0x47: {  	v10 =	vor.u32 $0x4, v6;
	v13 =	vld.idx.msk [tilespmem:v6+s17+$0x0], $0xffff  }
0x48: {  	v11 =	vor.u32 $0x5, v6;
	v20 =	vld.idx.msk [tilespmem:v4+s17+$0x0], $0xffff  }
0x49: {  	v14 =	vor.u32 $0x6, v6;
	v12 =	vld.idx.msk [tilespmem:v7+s17+$0x0], $0xffff  }
0x4a: {  	v15 =	vld.idx.msk [tilespmem:v8+s17+$0x0], $0xffff  }
0x4b: {  	v16 =	vld.idx.msk [tilespmem:v9+s17+$0x0], $0xffff  }
0x4c: {  	s11 =	simm.s32 $0xC040;
	v17 =	vld.idx.msk [tilespmem:v10+s17+$0x0], $0xffff  }
0x4d: {  	v21 =	vadd.s32 $0x8, v5;
	v18 =	vld.idx.msk [tilespmem:v11+s17+$0x0], $0xffff;
	[tilespmem:s11+$0xFFFFFFC0] =	vst v13  }
0x4e: {  	s2 =	simm.s32 $0x0;
	v5 =	vshll.u32 v21, $0x3;
	v19 =	vld.idx.msk [tilespmem:v14+s17+$0x0], $0xffff;
	[tilespmem:s11+$0x30] =	vst v12  }
0x4f: {  	v5 =	vand.u32 $0xFFFFFC00, v5;
	[tilespmem:s11+$0xFFFFFFD0] =	vst v15;
	v12 =	vand.u32 $0x78, v21;
	v24 =	vld.idx.msk [tilespmem:v6+s2+$0x0], $0xffff  }
0x50: {  	[tilespmem:s11+$0xFFFFFFE0] =	vst v16;
	v7 =	vld.idx.msk [tilespmem:v7+s2+$0x0], $0xffff;
	v16 =	vor.u32 v12, v5  }
0x51: {  	v15 =	vld.idx.msk [tilespmem:v8+s2+$0x0], $0xffff;
	v5 =	vadd.s32 v1, v16  }
0x52: {  	[tilespmem:s11+$0x0] =	vst v17;
	v22 =	vld.idx.msk [tilespmem:v9+s2+$0x0], $0xffff;
	v6 =	vadd.s32 v2, v16  }
0x53: {  	[tilespmem:s11+$0x10] =	vst v18;
	v17 =	vld.idx.msk [tilespmem:v10+s2+$0x0], $0xffff;
	v12 =	vor.u32 $0x7, v5  }
0x54: {  	[tilespmem:s11+$0x20] =	vst v19;
	v23 =	vld.idx.msk [tilespmem:v11+s2+$0x0], $0xffff;
	v10 =	vor.u32 $0x1, v5  }
0x55: {  	s3 =	simm.s32 $0xA040;
	[tilespmem:s11+$0xFFFFFFF0] =	vst v20;
	v14 =	vld.idx.msk [tilespmem:v14+s2+$0x0], $0xffff;
	v9 =	vor.u32 $0x2, v5  }
0x56: {  	v11 =	vor.u32 $0x4, v5;
	[tilespmem:s3+$0xFFFFFFC0] =	vst v24;
	v13 =	vld.idx.msk [tilespmem:v5+s17+$0x0], $0xffff  }
0x57: {  	v8 =	vor.u32 $0x5, v5;
	[tilespmem:s3+$0xFFFFFFD0] =	vst v15;
	v15 =	vld.idx.msk [tilespmem:v6+s17+$0x0], $0xffff  }
0x58: {  	[tilespmem:s3+$0x30] =	vst v7;
	v7 =	vor.u32 $0x6, v5;
	v25 =	vld.idx.msk [tilespmem:v12+s17+$0x0], $0xffff  }
0x59: {  	[tilespmem:s3+$0xFFFFFFE0] =	vst v22;
	v20 =	vld.idx.msk [tilespmem:v10+s17+$0x0], $0xffff  }
0x5a: {  	[tilespmem:s3+$0x0] =	vst v17;
	v18 =	vld.idx.msk [tilespmem:v9+s17+$0x0], $0xffff  }
0x5b: {  	[tilespmem:s3+$0x10] =	vst v23;
	v19 =	vld.idx.msk [tilespmem:v11+s17+$0x0], $0xffff  }
0x5c: {  	s31 =	sshll.u32 s29, $0x1;
	s18 =	simm.s32 $0xC0C0;
	[tilespmem:s3+$0x20] =	vst v14;
	v17 =	vld.idx.msk [tilespmem:v8+s17+$0x0], $0xffff  }
0x5d: {  	s12 =	simm.s32 $0x8;
	s16 =	simm.s32 $0xA040;
	s11 =	simm.s32 $0x0;
	v14 =	vadd.s32 $0x8, v21;
	v16 =	vld.idx.msk [tilespmem:v7+s17+$0x0], $0xffff;
	[tilespmem:s18+$0x30] =	vst v25  }
.LBB2_6:
0x5e: {  	v21 =	vshll.u32 v14, $0x3;
	s12 =	sadd.s32 $0x8, s12;
	[tilespmem:s18+$0xFFFFFFD0] =	vst v20;
	v20 =	vld.idx.msk [tilespmem:v12+s2+$0x0], $0xffff  }
0x5f: {  	v12 =	vand.u32 $0x78, v14;
	v21 =	vand.u32 $0xFFFFFC00, v21;
	p0 =	slt.u32 s12, $0x1F8;
	v22 =	vld.idx.msk [tilespmem:v10+s2+$0x0], $0xffff;
	[tilespmem:s18+$0xFFFFFFE0] =	vst v18  }
0x60: {  	v10 =	vor.u32 v12, v21;
	v18 =	vld.idx.msk [tilespmem:v9+s2+$0x0], $0xffff;
	[tilespmem:s18+$0x0] =	vst v19  }
0x61: {  	v19 =	vadd.s32 v1, v10;
	v21 =	vadd.s32 v2, v10;
	v23 =	vld.idx.msk [tilespmem:v11+s2+$0x0], $0xffff;
	[tilespmem:s18+$0x10] =	vst v17  }
0x62: {  	v10 =	vor.u32 $0x1, v19;
	v9 =	vor.u32 $0x2, v19;
	v12 =	vor.u32 $0x7, v19;
	v17 =	vld.idx.msk [tilespmem:v8+s2+$0x0], $0xffff;
	[tilespmem:s18+$0x20] =	vst v16  }
0x63: {  	s3 =	sadd.s32 $0x80, s3;
	v11 =	vor.u32 $0x4, v19;
	v8 =	vor.u32 $0x5, v19;
	[tilespmem:s18+$0xFFFFFFC0] =	vst v13;
	v16 =	vld.idx.msk [tilespmem:v7+s2+$0x0], $0xffff;
	v7 =	vor.u32 $0x6, v19  }
0x64: {  	v24 =	vld.idx.msk [tilespmem:v5+s2+$0x0], $0xffff;
	[tilespmem:s3+$0x30] =	vst v20;
	v5 =	vmov v19  }
0x65: {  	[tilespmem:s18+$0xFFFFFFF0] =	vst v15;
	v15 =	vld.idx.msk [tilespmem:v4+s11+$0x0], $0xffff;
	v4 =	vmov v6;
	v6 =	vmov v21;
	s11 =	smov.u32 s2  }
0x66: {  	v13 =	vld.idx.msk [tilespmem:v19+s17+$0x0], $0xffff;
	[tilespmem:s3+$0xFFFFFFD0] =	vst v22  }
0x67: {  	v21 =	vld.idx.msk [tilespmem:v12+s17+$0x0], $0xffff;
	[tilespmem:s3+$0xFFFFFFE0] =	vst v18  }
0x68: {  	v20 =	vld.idx.msk [tilespmem:v10+s17+$0x0], $0xffff;
	[tilespmem:s3+$0x0] =	vst v23  }
.Ltmp4:
0x69: {  	v18 =	vld.idx.msk [tilespmem:v9+s17+$0x0], $0xffff;
	[tilespmem:s3+$0x10] =	vst v17;
	(pc) =	sbr.rel @p0 .LBB2_6-.Ltmp4, $4  }
0x6a: {  	v19 =	vld.idx.msk [tilespmem:v11+s17+$0x0], $0xffff;
	[tilespmem:s3+$0x20] =	vst v16  }
0x6b: {  	v17 =	vld.idx.msk [tilespmem:v8+s17+$0x0], $0xffff;
	[tilespmem:s3+$0xFFFFFFC0] =	vst v24  }
0x6c: {  	s18 =	sadd.s32 $0x80, s18;
	v16 =	vld.idx.msk [tilespmem:v7+s17+$0x0], $0xffff;
	[tilespmem:s16+$0xFFFFFFF0] =	vst v15;
	s16 =	smov.u32 s3  }
0x6d: {  	v14 =	vadd.s32 $0x8, v14;
	v15 =	vld.idx.msk [tilespmem:v6+s17+$0x0], $0xffff;
	[tilespmem:s18+$0x30] =	vst v21  }
0x6e: {  	_ =	sdelay $0x1  }
0x6f: {  	[tilespmem:s18+$0xFFFFFFD0] =	vst v20  }
0x70: {  	[tilespmem:s18+$0xFFFFFFE0] =	vst v18  }
0x71: {  	v12 =	vld.idx.msk [tilespmem:v12+s2+$0x0], $0xffff;
	[tilespmem:s18+$0xFFFFFFC0] =	vst v13  }
0x72: {  	v4 =	vld.idx.msk [tilespmem:v4+s11+$0x0], $0xffff;
	[tilespmem:s18+$0x0] =	vst v19  }
0x73: {  	v10 =	vld.idx.msk [tilespmem:v10+s2+$0x0], $0xffff;
	[tilespmem:s18+$0x10] =	vst v17  }
0x74: {  	v9 =	vld.idx.msk [tilespmem:v9+s2+$0x0], $0xffff;
	[tilespmem:s18+$0x20] =	vst v16  }
0x75: {  	s3 =	sadd.s32 $0x80, s3;
	v5 =	vld.idx.msk [tilespmem:v5+s2+$0x0], $0xffff;
	[tilespmem:s18+$0xFFFFFFF0] =	vst v15  }
0x76: {  	v11 =	vld.idx.msk [tilespmem:v11+s2+$0x0], $0xffff;
	[tilespmem:s3+$0x30] =	vst v12  }
0x77: {  	v8 =	vld.idx.msk [tilespmem:v8+s2+$0x0], $0xffff;
	[tilespmem:s16+$0xFFFFFFF0] =	vst v4  }
0x78: {  	v7 =	vld.idx.msk [tilespmem:v7+s2+$0x0], $0xffff;
	[tilespmem:s3+$0xFFFFFFD0] =	vst v10  }
0x79: {  	v6 =	vld.idx.msk [tilespmem:v6+s2+$0x0], $0xffff;
	[tilespmem:s3+$0xFFFFFFE0] =	vst v9  }
0x7a: {  	[tilespmem:s3+$0xFFFFFFC0] =	vst v5  }
0x7b: {  	[tilespmem:s3+$0x0] =	vst v11  }
0x7c: {  	[tilespmem:s3+$0x10] =	vst v8  }
0x7d: {  	[tilespmem:s3+$0x20] =	vst v7  }
0x7e: {  	s2 =	simm.s32 $0x0;
	[tilespmem:s3+$0xFFFFFFF0] =	vst v6;
	s3 =	simm.s32 $0x40  }
.LBB2_8:
0x7f: {  	p0 =	sne.s32 s3, $0x7FC0;
	v4 =	vld [tilespmem:s2+$0xC000];
	_ =	sdelay $0x4  }
0x80: {  	v5 =	vshll.u32 v4, $0x3  }
0x81: {  	v4 =	vand.u32 $0x7F, v4;
	v5 =	vand.u32 $0xFFFFFC00, v5  }
0x82: {  	v4 =	vor.u32 v4, v5  }
0x83: {  	v4 =	vadd.s32 v3, v4;
	_ =	sdelay $0x4  }
0x84: {  	v5 =	vld.idx.msk [tilespmem:v4+s24+$0x0], $0xffff  }
0x85: {  	v6 =	vld [tilespmem:s2+$0xA000];
	_ =	sdelay $0x1  }
.Ltmp5:
0x86: {  	(pc) =	sbr.rel @p0 .LBB2_8-.Ltmp5, $3  }
0x87: {  	_ =	sdelay $0x1  }
0x88: {  	v5 =	vmax.f32 v5, v6  }
0x89: {  	s2 =	sshra.s32 s3, $0x2;
	s3 =	sadd.s32 $0x40, s3;
	[tilespmem:v4+s24+$0x0] =	vst.idx.msk $0xffff, v5  }
0x8a: {  	v4 =	vld [tilespmem:s2+$0xC000];
	_ =	sdelay $0x4  }
0x8b: {  	v5 =	vshll.u32 v4, $0x3  }
0x8c: {  	v4 =	vand.u32 $0x7F, v4;
	v5 =	vand.u32 $0xFFFFFC00, v5  }
0x8d: {  	v4 =	vor.u32 v4, v5  }
0x8e: {  	v4 =	vadd.s32 v3, v4;
	_ =	sdelay $0x3  }
0x8f: {  	v6 =	vld [tilespmem:s2+$0xA000]  }
0x90: {  	p0 =	seq.s32 s29, $0x1F;
	v5 =	vld.idx.msk [tilespmem:v4+s24+$0x0], $0xffff  }
0x91: {  	s2 =	sadd.s32 @!p0 $0x2, s31  }
0x92: {  	s3 =	sand.u32 @!p0 $0x6, s2  }
0x93: {  	s2 =	sshll.u32 @!p0 s2, $0xA;
	s3 =	sor.u32 @!p0 s5, s3  }
0x94: {  	s2 =	sand.u32 @!p0 $0x1E000, s2;
	s3 =	sshll.u32 @!p0 s3, $0x9  }
0x95: {  	s2 =	sadd.s32 @!p0 s2, s3;
	v5 =	vmax.f32 v5, v6  }
0x96: {  	s11 =	simm.s32 @!p0 $0x0;
	s3 =	sadd.s32 @!p0 s0, s2;
	[tilespmem:v4+s24+$0x0] =	vst.idx.msk $0xffff, v5  }
0x97: {  	[tilespmem:s11], [sflag:$0x1] =	stream.linear.gather @!p0 [hbm4b:s3+s11], $0x1000, $0x38;
	[tilespmem:$0x12000] =	vst v63  }
0x98: {  	s12 =	simm.s32 @!p0 $0x1400;
	s3 =	sadd.s32 @!p0 $0x1000, s3  }
0x99: {  	[tilespmem:s12], [sflag:$0x1] =	stream.linear.gather @!p0 [hbm4b:s3+s11], $0x1000, $0x38;
	[tilespmem:$0x12000] =	vst v63  }
0x9a: {  	s2 =	sadd.s32 @!p0 s1, s2;
	s3 =	simm.s32 @!p0 $0x5000  }
0x9b: {  	v5 =	vimm.s32 $0x0;
	[tilespmem:s3], [sflag:$0x1] =	stream.linear.gather @!p0 [hbm4b:s2+s11], $0x1000, $0x38;
	[tilespmem:$0x12000] =	vst v63  }
0x9c: {  	v4 =	vshll.u32 v5, $0x3;
	s2 =	sadd.s32 @!p0 $0x1000, s2;
	s3 =	simm.s32 @!p0 $0x6400  }
0x9d: {  	v6 =	vand.u32 $0x78, v5;
	v4 =	vand.u32 $0xFFFFFC00, v4;
	[tilespmem:s3], [sflag:$0x1] =	stream.linear.gather @!p0 [hbm4b:s2+s11], $0x1000, $0x38;
	[tilespmem:$0x12000] =	vst v63  }
0x9e: {  	v4 =	vor.u32 v6, v4;
	_ =	swait.ge [sflag:s25], $0x2000  }
0x9f: {  	v6 =	vadd.s32 v1, v4;
	[sflag:s25] =	ssyncset.done $0x0  }
0xa0: {  	v7 =	vor.u32 $0x7, v6;
	[sflag:s25] =	ssyncadd.s32 $0xFFFFE000  }
0xa1: {  	v8 =	vor.u32 $0x1, v6;
	_ =	swait.ge [sflag:s25], $0x2000  }
0xa2: {  	v9 =	vor.u32 $0x2, v6;
	[sflag:s25] =	ssyncset.done $0x0  }
0xa3: {  	v10 =	vor.u32 $0x4, v6;
	[sflag:s25] =	ssyncadd.s32 $0xFFFFE000  }
0xa4: {  	v11 =	vor.u32 $0x5, v6;
	v13 =	vld.idx.msk [tilespmem:v6+s21+$0x0], $0xffff  }
0xa5: {  	v14 =	vor.u32 $0x6, v6;
	v12 =	vld.idx.msk [tilespmem:v7+s21+$0x0], $0xffff  }
0xa6: {  	v4 =	vadd.s32 v2, v4;
	v15 =	vld.idx.msk [tilespmem:v8+s21+$0x0], $0xffff  }
0xa7: {  	v16 =	vld.idx.msk [tilespmem:v9+s21+$0x0], $0xffff  }
0xa8: {  	v17 =	vld.idx.msk [tilespmem:v10+s21+$0x0], $0xffff  }
0xa9: {  	v18 =	vld.idx.msk [tilespmem:v11+s21+$0x0], $0xffff  }
0xaa: {  	s18 =	simm.s32 $0xC040;
	v21 =	vadd.s32 $0x8, v5;
	v19 =	vld.idx.msk [tilespmem:v14+s21+$0x0], $0xffff  }
0xab: {  	v5 =	vshll.u32 v21, $0x3;
	v20 =	vld.idx.msk [tilespmem:v4+s21+$0x0], $0xffff;
	[tilespmem:s18+$0x30] =	vst v12  }
0xac: {  	v5 =	vand.u32 $0xFFFFFC00, v5;
	[tilespmem:s18+$0xFFFFFFD0] =	vst v15;
	v12 =	vand.u32 $0x78, v21;
	v7 =	vld.idx.msk [tilespmem:v7+s19+$0x0], $0xffff  }
0xad: {  	[tilespmem:s18+$0xFFFFFFE0] =	vst v16;
	v15 =	vld.idx.msk [tilespmem:v8+s19+$0x0], $0xffff;
	v16 =	vor.u32 v12, v5  }
0xae: {  	[tilespmem:s18+$0xFFFFFFC0] =	vst v13;
	v22 =	vld.idx.msk [tilespmem:v9+s19+$0x0], $0xffff;
	v5 =	vadd.s32 v1, v16  }
0xaf: {  	[tilespmem:s18+$0x0] =	vst v17;
	v24 =	vld.idx.msk [tilespmem:v6+s19+$0x0], $0xffff;
	v6 =	vadd.s32 v2, v16  }
0xb0: {  	[tilespmem:s18+$0x10] =	vst v18;
	v17 =	vld.idx.msk [tilespmem:v10+s19+$0x0], $0xffff;
	v12 =	vor.u32 $0x7, v5  }
0xb1: {  	[tilespmem:s18+$0x20] =	vst v19;
	v23 =	vld.idx.msk [tilespmem:v11+s19+$0x0], $0xffff;
	v10 =	vor.u32 $0x1, v5  }
0xb2: {  	s2 =	simm.s32 $0xA040;
	[tilespmem:s18+$0xFFFFFFF0] =	vst v20;
	v14 =	vld.idx.msk [tilespmem:v14+s19+$0x0], $0xffff;
	v9 =	vor.u32 $0x2, v5  }
0xb3: {  	v11 =	vor.u32 $0x4, v5;
	[tilespmem:s2+$0x30] =	vst v7;
	v13 =	vld.idx.msk [tilespmem:v5+s21+$0x0], $0xffff  }
0xb4: {  	v8 =	vor.u32 $0x5, v5;
	[tilespmem:s2+$0xFFFFFFD0] =	vst v15;
	v15 =	vld.idx.msk [tilespmem:v6+s21+$0x0], $0xffff  }
0xb5: {  	v7 =	vor.u32 $0x6, v5;
	[tilespmem:s2+$0xFFFFFFE0] =	vst v22;
	v25 =	vld.idx.msk [tilespmem:v12+s21+$0x0], $0xffff  }
0xb6: {  	[tilespmem:s2+$0x0] =	vst v17;
	v20 =	vld.idx.msk [tilespmem:v10+s21+$0x0], $0xffff  }
0xb7: {  	[tilespmem:s2+$0x10] =	vst v23;
	v18 =	vld.idx.msk [tilespmem:v9+s21+$0x0], $0xffff  }
0xb8: {  	[tilespmem:s2+$0x20] =	vst v14;
	v19 =	vld.idx.msk [tilespmem:v11+s21+$0x0], $0xffff  }
0xb9: {  	s16 =	simm.s32 $0xC0C0;
	[tilespmem:s2+$0xFFFFFFC0] =	vst v24;
	v17 =	vld.idx.msk [tilespmem:v8+s21+$0x0], $0xffff  }
0xba: {  	s11 =	simm.s32 $0x8;
	s3 =	simm.s32 $0xA040;
	v14 =	vadd.s32 $0x8, v21;
	v16 =	vld.idx.msk [tilespmem:v7+s21+$0x0], $0xffff;
	[tilespmem:s16+$0x30] =	vst v25  }
.LBB2_10:
0xbb: {  	v21 =	vshll.u32 v14, $0x3;
	s11 =	sadd.s32 $0x8, s11;
	[tilespmem:s16+$0xFFFFFFD0] =	vst v20;
	v20 =	vld.idx.msk [tilespmem:v12+s19+$0x0], $0xffff  }
0xbc: {  	v12 =	vand.u32 $0x78, v14;
	v21 =	vand.u32 $0xFFFFFC00, v21;
	p1 =	slt.u32 s11, $0x1F8;
	v22 =	vld.idx.msk [tilespmem:v10+s19+$0x0], $0xffff;
	[tilespmem:s16+$0xFFFFFFE0] =	vst v18  }
0xbd: {  	v10 =	vor.u32 v12, v21;
	v18 =	vld.idx.msk [tilespmem:v9+s19+$0x0], $0xffff;
	[tilespmem:s16+$0x0] =	vst v19  }
0xbe: {  	v19 =	vadd.s32 v1, v10;
	v21 =	vadd.s32 v2, v10;
	v23 =	vld.idx.msk [tilespmem:v11+s19+$0x0], $0xffff;
	[tilespmem:s16+$0x10] =	vst v17  }
0xbf: {  	v10 =	vor.u32 $0x1, v19;
	v9 =	vor.u32 $0x2, v19;
	v12 =	vor.u32 $0x7, v19;
	v17 =	vld.idx.msk [tilespmem:v8+s19+$0x0], $0xffff;
	[tilespmem:s16+$0x20] =	vst v16  }
0xc0: {  	s2 =	sadd.s32 $0x80, s2;
	v11 =	vor.u32 $0x4, v19;
	v8 =	vor.u32 $0x5, v19;
	[tilespmem:s16+$0xFFFFFFC0] =	vst v13;
	v16 =	vld.idx.msk [tilespmem:v7+s19+$0x0], $0xffff;
	v7 =	vor.u32 $0x6, v19  }
0xc1: {  	v24 =	vld.idx.msk [tilespmem:v5+s19+$0x0], $0xffff;
	[tilespmem:s2+$0x30] =	vst v20;
	v5 =	vmov v19  }
0xc2: {  	[tilespmem:s16+$0xFFFFFFF0] =	vst v15;
	v15 =	vld.idx.msk [tilespmem:v4+s19+$0x0], $0xffff;
	v4 =	vmov v6;
	v6 =	vmov v21  }
0xc3: {  	v13 =	vld.idx.msk [tilespmem:v19+s21+$0x0], $0xffff;
	[tilespmem:s2+$0xFFFFFFD0] =	vst v22  }
0xc4: {  	v21 =	vld.idx.msk [tilespmem:v12+s21+$0x0], $0xffff;
	[tilespmem:s2+$0xFFFFFFE0] =	vst v18  }
0xc5: {  	v20 =	vld.idx.msk [tilespmem:v10+s21+$0x0], $0xffff;
	[tilespmem:s2+$0x0] =	vst v23  }
.Ltmp6:
0xc6: {  	v18 =	vld.idx.msk [tilespmem:v9+s21+$0x0], $0xffff;
	[tilespmem:s2+$0x10] =	vst v17;
	(pc) =	sbr.rel @p1 .LBB2_10-.Ltmp6, $4  }
0xc7: {  	v19 =	vld.idx.msk [tilespmem:v11+s21+$0x0], $0xffff;
	[tilespmem:s2+$0x20] =	vst v16  }
0xc8: {  	v17 =	vld.idx.msk [tilespmem:v8+s21+$0x0], $0xffff;
	[tilespmem:s2+$0xFFFFFFC0] =	vst v24  }
0xc9: {  	s16 =	sadd.s32 $0x80, s16;
	v16 =	vld.idx.msk [tilespmem:v7+s21+$0x0], $0xffff;
	[tilespmem:s3+$0xFFFFFFF0] =	vst v15;
	s3 =	smov.u32 s2  }
0xca: {  	v14 =	vadd.s32 $0x8, v14;
	v15 =	vld.idx.msk [tilespmem:v6+s21+$0x0], $0xffff;
	[tilespmem:s16+$0x30] =	vst v21  }
0xcb: {  	_ =	sdelay $0x1  }
0xcc: {  	[tilespmem:s16+$0xFFFFFFD0] =	vst v20  }
0xcd: {  	[tilespmem:s16+$0xFFFFFFE0] =	vst v18  }
0xce: {  	v12 =	vld.idx.msk [tilespmem:v12+s19+$0x0], $0xffff;
	[tilespmem:s16+$0xFFFFFFC0] =	vst v13  }
0xcf: {  	v4 =	vld.idx.msk [tilespmem:v4+s19+$0x0], $0xffff;
	[tilespmem:s16+$0x0] =	vst v19  }
0xd0: {  	v10 =	vld.idx.msk [tilespmem:v10+s19+$0x0], $0xffff;
	[tilespmem:s16+$0x10] =	vst v17  }
0xd1: {  	v9 =	vld.idx.msk [tilespmem:v9+s19+$0x0], $0xffff;
	[tilespmem:s16+$0x20] =	vst v16  }
0xd2: {  	s11 =	sadd.s32 $0x80, s2;
	v5 =	vld.idx.msk [tilespmem:v5+s19+$0x0], $0xffff;
	[tilespmem:s16+$0xFFFFFFF0] =	vst v15  }
0xd3: {  	v11 =	vld.idx.msk [tilespmem:v11+s19+$0x0], $0xffff;
	[tilespmem:s11+$0x30] =	vst v12  }
0xd4: {  	v8 =	vld.idx.msk [tilespmem:v8+s19+$0x0], $0xffff;
	[tilespmem:s3+$0xFFFFFFF0] =	vst v4  }
0xd5: {  	v7 =	vld.idx.msk [tilespmem:v7+s19+$0x0], $0xffff;
	[tilespmem:s11+$0xFFFFFFD0] =	vst v10  }
0xd6: {  	p1 =	por $0x1, $0x1;
	v6 =	vld.idx.msk [tilespmem:v6+s19+$0x0], $0xffff;
	[tilespmem:s11+$0xFFFFFFE0] =	vst v9  }
.Ltmp7:
0xd7: {  	[tilespmem:s11+$0xFFFFFFC0] =	vst v5;
	(pc) =	sbr.rel @!p1 .LBB2_13-.Ltmp7, $4  }
0xd8: {  	[tilespmem:s11+$0x0] =	vst v11  }
0xd9: {  	[tilespmem:s11+$0x10] =	vst v8  }
0xda: {  	[tilespmem:s11+$0x20] =	vst v7  }
0xdb: {  	s2 =	simm.s32 $0x0;
	s3 =	simm.s32 $0x0;
	[tilespmem:s11+$0xFFFFFFF0] =	vst v6;
	s11 =	simm.s32 $0x40  }
.LBB2_12:
0xdc: {  	p1 =	sne.s32 s11, $0x7FC0;
	v4 =	vld [tilespmem:s3+$0xC000];
	_ =	sdelay $0x4  }
0xdd: {  	v5 =	vshll.u32 v4, $0x3  }
0xde: {  	v4 =	vand.u32 $0x7F, v4;
	v5 =	vand.u32 $0xFFFFFC00, v5  }
0xdf: {  	v4 =	vor.u32 v4, v5  }
0xe0: {  	v4 =	vadd.s32 v3, v4;
	_ =	sdelay $0x4  }
0xe1: {  	v5 =	vld.idx.msk [tilespmem:v4+s24+$0x0], $0xffff  }
0xe2: {  	v6 =	vld [tilespmem:s3+$0xA000];
	_ =	sdelay $0x1  }
.Ltmp8:
0xe3: {  	(pc) =	sbr.rel @p1 .LBB2_12-.Ltmp8, $3  }
0xe4: {  	_ =	sdelay $0x1  }
0xe5: {  	v5 =	vmax.f32 v5, v6  }
0xe6: {  	s3 =	sshra.s32 s11, $0x2;
	s11 =	sadd.s32 $0x40, s11;
	[tilespmem:v4+s24+$0x0] =	vst.idx.msk $0xffff, v5  }
.LBB2_13:
0xe7: {  	v4 =	vld [tilespmem:s3+$0xC000];
	_ =	sdelay $0x4  }
0xe8: {  	v5 =	vshll.u32 v4, $0x3  }
0xe9: {  	v4 =	vand.u32 $0x7F, v4;
	v5 =	vand.u32 $0xFFFFFC00, v5  }
0xea: {  	v4 =	vor.u32 v4, v5  }
0xeb: {  	v4 =	vadd.s32 v3, v4;
	_ =	sdelay $0x3  }
0xec: {  	v6 =	vld [tilespmem:s3+$0xA000]  }
0xed: {  	v5 =	vld.idx.msk [tilespmem:v4+s24+$0x0], $0xffff  }
0xee: {  	p1 =	sne.s32 s30, $0x3  }
.Ltmp9:
0xef: {  	_ = 	snop;
	(pc) =	sbr.rel @p1 .LBB2_17-.Ltmp9, $3  }
0xf0: {  	_ =	sdelay $0x1  }
0xf1: {  	v5 =	vmax.f32 v5, v6  }
0xf2: {  	[tilespmem:v4+s24+$0x0] =	vst.idx.msk $0xffff, v5  }
0xf3: {  	s3 =	simm.s32 $0x0  }
0xf4: {  	s11 =	sand.u32 $0x1C00, s2;
	s12 =	simm.s32 $0x0;
	s3 =	sand.u32 $0x2000, s3  }
0xf5: {  	s12 =	sand.u32 $0x380, s12;
	s3 =	sor.u32 s11, s3  }
0xf6: {  	s11 =	sand.u32 $0x70, s2;
	s3 =	sor.u32 s12, s3  }
0xf7: {  	s2 =	sor.u32 s11, s3  }
0xf8: {  	v5 =	vld [tilespmem:s2+$0xE000]  }
0xf9: {  	s16 =	simm.s32 $0x80;
	s18 =	simm.s32 $0x10  }
0xfa: {  	s30 =	simm.s32 $0x2;
	s11 =	sand.u32 $0x2000, s18;
	s3 =	sand.u32 $0x1C00, s16  }
0xfb: {  	s12 =	sand.u32 $0x380, s30;
	s11 =	sor.u32 s3, s11;
	s3 =	simm.s32 $0x10  }
0xfc: {  	s16 =	sand.u32 $0x70, s3;
	s11 =	sor.u32 s12, s11  }
0xfd: {  	s16 =	sor.u32 s16, s11;
	vm0 =	veq.f32 v5, $-Inf  }
0xfe: {  	s12 =	simm.s32 $0x100;
	s11 =	simm.s32 $0x2;
	v4 =	vld [tilespmem:s16+$0xE000];
	v5 =	vsel vm0, $0x0, v5  }
.LBB2_15:
0xff: {  	s18 =	sshll.u32 s11, $0x4;
	p1 =	sne.s32 s11, $0x3FF;
	s30 =	smov.u32 s11  }
0x100: {  	[tilespmem:s2+$0xE000] =	vst v5;
	s11 =	sadd.s32 $0x1, s11;
	s2 =	smov.u32 s16;
	s16 =	sand.u32 $0x2000, s18  }
.Ltmp10:
0x101: {  	s18 =	sand.u32 $0x1C00, s12;
	s30 =	sshll.u32 s30, $0x1;
	(pc) =	sbr.rel @p1 .LBB2_15-.Ltmp10, $4  }
0x102: {  	s3 =	sadd.s32 $0x10, s3;
	s30 =	sand.u32 $0x380, s30;
	s16 =	sor.u32 s18, s16  }
0x103: {  	s18 =	sand.u32 $0x70, s3;
	s16 =	sor.u32 s30, s16  }
0x104: {  	s16 =	sor.u32 s18, s16;
	vm0 =	veq.f32 v4, $-Inf  }
0x105: {  	s12 =	sadd.s32 $0x80, s12;
	v5 =	vsel vm0, $0x0, v4;
	v4 =	vld [tilespmem:s16+$0xE000]  }
0x106: {  	_ =	sdelay $0x3  }
0x107: {  	s3 =	sshll.u32 s29, $0x9;
	vm0 =	veq.f32 v4, $-Inf  }
0x108: {  	[tilespmem:s2+$0xE000] =	vst v5;
	s30 =	sand.u32 $0x3800, s3;
	v4 =	vsel vm0, $0x0, v4  }
0x109: {  	s2 =	sadd.s32 s30, s10;
	[tilespmem:s16+$0xE000] =	vst v4  }
0x10a: {  	[hbm4b:s2+s4] =	stream.linear.scatter [tilespmem:s24], [sflag:$0x3], $0x4000, $0x38;
	[tilespmem:$0x12000] =	vst v63  }
0x10b: {  	_ =	swait.ge [sflag:s26], $0x4000  }
0x10c: {  	[sflag:s26] =	ssyncset.done $0x0  }
0x10d: {  	[sflag:s26] =	ssyncadd.s32 $0xFFFFC000  }
.LBB2_17:
.Ltmp11:
0x10e: {  	(pc) =	sbr.rel @p0 .LBB2_19-.Ltmp11, $1  }
0x10f: {  	_ =	sdelay $0x3  }
0x110: {  	s2 =	sadd.s32 $0x3, s31  }
0x111: {  	s3 =	sand.u32 $0x7, s2  }
0x112: {  	s2 =	sshll.u32 s2, $0xA;
	s3 =	sor.u32 s5, s3  }
0x113: {  	s2 =	sand.u32 $0x1E000, s2;
	s3 =	sshll.u32 s3, $0x9  }
0x114: {  	s2 =	sadd.s32 s2, s3  }
0x115: {  	s3 =	sadd.s32 s0, s2  }
0x116: {  	[tilespmem:s19], [sflag:$0x2] =	stream.linear.gather [hbm4b:s3+s4], $0x1000, $0x38;
	[tilespmem:$0x12000] =	vst v63  }
0x117: {  	s3 =	sadd.s32 $0x1000, s3  }
0x118: {  	[tilespmem:s20], [sflag:$0x2] =	stream.linear.gather [hbm4b:s3+s4], $0x1000, $0x38;
	[tilespmem:$0x12000] =	vst v63  }
.Ltmp12:
0x119: {  	_ = 	snop;
	(pc) =	sbr.rel .LBB2_2-.Ltmp12, $4  }
0x11a: {  	s2 =	sadd.s32 s1, s2  }
0x11b: {  	[tilespmem:s21], [sflag:$0x2] =	stream.linear.gather [hbm4b:s2+s4], $0x1000, $0x38;
	[tilespmem:$0x12000] =	vst v63  }
0x11c: {  	s29 =	sadd.s32 $0x1, s29;
	s2 =	sadd.s32 $0x1000, s2  }
0x11d: {  	[tilespmem:s22], [sflag:$0x2] =	stream.linear.gather [hbm4b:s2+s4], $0x1000, $0x38;
	[tilespmem:$0x12000] =	vst v63  }
.LBB2_20:
0x11e: {  	_ =	sfence.sel $0x180000  }
0x11f: {  	[bflag:$0x0] =	sbarrier.arrive $0xFFFF  }
0x120: {  	_ =	strace $0x90000047  }
0x121: {  	s0 =	stileid.u32;
	[bflag:$0x2] =	sbarrier.arrive $0xFFFF  }
0x122: {  	p0 =	sne.s32 s0, $0x0;
	s0 =	rddreg [dreg:$0x3]  }
0x123: {  	s0 =	sadd.s32 @!p0 $0x100000, s0  }
0x124: {  	[sflag:s0] =	ssyncadd.tile.s32 @!p0 $0x1;
	_ =	shalt  }
.Lfunc_end2:
_tile_overlayer_lowered:
.L_overlay_start_2:
0x125: {  	(tag) =	ssettag $0x2  }
0x126: {  	s0 =	rddreg [dreg:$0x0];
	s2 =	stileid.u32  }
0x127: {  	s1 =	rddreg [dreg:$0x1];
	p0 =	sne.s32 s2, $0x0  }
0x128: {  	s3 =	rddreg [dreg:$0x2];
	[bflag:$0x3] =	sbarrier.arrive $0xFFFF;
	s2 =	simm.s32 @!p0 $0x1C03  }
0x129: {  	[timem:s3], [sflag:s2] =	dma.local @!p0 [hbm:s0], s1  }
0x12a: {  	s0 =	simm.s32 @!p0 $0x3  }
0x12b: {  	_ =	swait.ge @!p0 [sflag:s0], s1  }
0x12c: {  	s1 =	ssub.s32 @!p0 $0x0, s1;
	[sflag:s0] =	ssyncset.done @!p0 $0x0  }
0x12d: {  	[sflag:s0] =	ssyncadd.s32 @!p0 s1  }
0x12e: {  	[bflag:$0x3] =	sbarrier.arrive $0xFFFF  }
0x12f: {  	_ =	shalt  }

</sc_bundles>
